<compile_context>
chip_gen: v7x
topology: tpu7x:2x2x1
jax: 0.10.2.dev20260603
libtpu: 0.0.44.dev20260713+nightly
codegen_flags: <defaults>
</compile_context>

<pallas_src>
import functools

import jax
import jax.numpy as jnp
from jax import lax
from jax.experimental import pallas as pl
from jax.experimental.pallas import tpu as pltpu
from jax.experimental.pallas import tpu_sc as plsc

N = 10000
E = 320000
F = 128
DH = F // 2
NC = 2
NS = 16
CH = 128
STRIPE = 632
N_PAD = NS * STRIPE
TRASH = N
CHP = 256
PCH = 80
DCH = 80
E_PAD = NS * PCH * CHP

_mesh = plsc.VectorSubcoreMesh(core_axis_name="c", subcore_axis_name="s")
_sc_params = pltpu.CompilerParams(use_tc_tiling_on_sc=False)


@functools.partial(
    pl.kernel,
    out_type=jax.ShapeDtypeStruct((NC, N_PAD, 16), jnp.float32),
    mesh=_mesh,
    scratch_types=[
        pltpu.VMEM((DCH, CH), jnp.int32),
        pltpu.VMEM((CH, 16), jnp.float32),
        pltpu.VMEM_SHARED((N_PAD, 16), jnp.float32),
    ],
    compiler_params=_sc_params,
)
def _deg_kernel(dst_hbm, zeros_hbm, ones_hbm, out_hbm, idx_v, ones_v, acc_sh):
    cid = lax.axis_index("c")
    sid = lax.axis_index("s")
    base = sid * STRIPE
    pltpu.sync_copy(zeros_hbm.at[pl.ds(base, STRIPE)],
                    acc_sh.at[pl.ds(base, STRIPE)])
    pltpu.sync_copy(ones_hbm, ones_v)
    pltpu.sync_copy(dst_hbm.at[pl.ds((sid * NC + cid) * DCH, DCH)], idx_v)
    plsc.subcore_barrier()

    def body(j, carry):
        pltpu.sync_copy(ones_v, acc_sh.at[idx_v.at[j]], add=True)
        return carry

    lax.fori_loop(0, DCH, body, 0)
    plsc.subcore_barrier()
    pltpu.sync_copy(acc_sh.at[pl.ds(base, STRIPE)],
                    out_hbm.at[cid, pl.ds(base, STRIPE)])


@functools.partial(
    pl.kernel,
    out_type=jax.ShapeDtypeStruct((NC, N_PAD, DH), jnp.float32),
    mesh=_mesh,
    scratch_types=[
        pltpu.VMEM((PCH, CHP), jnp.int32),
        pltpu.VMEM((PCH, CHP), jnp.int32),
        [pltpu.VMEM((CHP, DH), jnp.float32)] * 3,
        pltpu.VMEM_SHARED((N_PAD, DH), jnp.float32),
        [pltpu.SemaphoreType.DMA] * 3,
        [pltpu.SemaphoreType.DMA] * 3,
    ],
    compiler_params=_sc_params,
)
def _prop_kernel(hn_hbm, src_hbm, dst_hbm, zeros_hbm, out_hbm,
                 src_v, dst_v, rows, acc_sh, gsems, ssems):
    cid = lax.axis_index("c")
    sid = lax.axis_index("s")
    base = sid * STRIPE
    table = hn_hbm.at[cid]
    pltpu.sync_copy(zeros_hbm.at[pl.ds(base, STRIPE)],
                    acc_sh.at[pl.ds(base, STRIPE)])
    pltpu.sync_copy(src_hbm.at[pl.ds(sid * PCH, PCH)], src_v)
    pltpu.sync_copy(dst_hbm.at[pl.ds(sid * PCH, PCH)], dst_v)
    plsc.subcore_barrier()

    pltpu.async_copy(table.at[src_v.at[0]], rows[0], gsems[0])

    def drain(sem, buf):
        pltpu.make_async_copy(table.at[pl.ds(0, CHP)], buf, sem).wait()

    def step(c, k):
        drain(gsems[k], rows[k])
        pltpu.async_copy(rows[k], acc_sh.at[dst_v.at[c]], ssems[k],
                         add=True)
        k1 = (k + 1) % 3

        @pl.when(c >= 2)
        def _():
            drain(ssems[k1], rows[k1])

        @pl.when(c + 1 < PCH)
        def _():
            pltpu.async_copy(table.at[src_v.at[c + 1]], rows[k1], gsems[k1])

    def body(jj, carry):
        c0 = 3 * jj
        for k in range(3):
            step(c0 + k, k)
        return carry

    lax.fori_loop(0, PCH // 3, body, 0)
    for c in range(3 * (PCH // 3), PCH):
        step(jnp.int32(c), c % 3)
    drain(ssems[(PCH - 2) % 3], rows[(PCH - 2) % 3])
    drain(ssems[(PCH - 1) % 3], rows[(PCH - 1) % 3])
    plsc.subcore_barrier()
    pltpu.sync_copy(acc_sh.at[pl.ds(base, STRIPE)],
                    out_hbm.at[cid, pl.ds(base, STRIPE)])


def _prep_body(deg2_ref, feats_ref, norm_ref, hn0_ref):
    deg = jnp.maximum(deg2_ref[0, :, 0:1] + deg2_ref[1, :, 0:1], 1.0)
    norm = lax.rsqrt(deg)
    normb = lax.broadcast_in_dim(norm, (N_PAD, DH), (0, 1))
    norm_ref[...] = normb
    nb = normb[:N, :]
    hn0_ref[0, pl.ds(0, N), :] = feats_ref[:, :DH] * nb
    hn0_ref[1, pl.ds(0, N), :] = feats_ref[:, DH:] * nb


_prep_call = pl.pallas_call(
    _prep_body,
    out_shape=(
        jax.ShapeDtypeStruct((N_PAD, DH), jnp.float32),
        jax.ShapeDtypeStruct((NC, N_PAD, DH), jnp.float32),
    ),
)


def _scale_body(a_ref, norm_ref, hn_ref):
    n2 = norm_ref[...] * norm_ref[...]
    hn_ref[0] = a_ref[0] * n2
    hn_ref[1] = a_ref[1] * n2


_scale_call = pl.pallas_call(
    _scale_body,
    out_shape=jax.ShapeDtypeStruct((NC, N_PAD, DH), jnp.float32),
)


MM_R = 2000


def _mm_body(feats_ref, a1p0, a1p1, a2p0, a2p1, norm_ref, w_ref, b_ref,
             out_ref):
    nb = norm_ref[...]
    dot = functools.partial(jnp.dot, preferred_element_type=jnp.float32,
                            precision=lax.Precision.HIGHEST)
    acc = dot(feats_ref[...], w_ref[pl.ds(0, F), :])
    acc += dot(a1p0[0] * nb, w_ref[pl.ds(F, DH), :])
    acc += dot(a1p1[0] * nb, w_ref[pl.ds(F + DH, DH), :])
    acc += dot(a2p0[0] * nb, w_ref[pl.ds(2 * F, DH), :])
    acc += dot(a2p1[0] * nb, w_ref[pl.ds(2 * F + DH, DH), :])
    out_ref[...] = acc + b_ref[...]


_mm_call = pl.pallas_call(
    _mm_body,
    grid=(N // MM_R,),
    in_specs=[
        pl.BlockSpec((MM_R, F), lambda i: (i, 0)),
        pl.BlockSpec((1, MM_R, DH), lambda i: (0, i, 0)),
        pl.BlockSpec((1, MM_R, DH), lambda i: (1, i, 0)),
        pl.BlockSpec((1, MM_R, DH), lambda i: (0, i, 0)),
        pl.BlockSpec((1, MM_R, DH), lambda i: (1, i, 0)),
        pl.BlockSpec((MM_R, DH), lambda i: (i, 0)),
        pl.BlockSpec((3 * F, F), lambda i: (0, 0)),
        pl.BlockSpec((1, F), lambda i: (0, 0)),
    ],
    out_specs=pl.BlockSpec((MM_R, F), lambda i: (i, 0)),
    out_shape=jax.ShapeDtypeStruct((N, F), jnp.float32),
)


def kernel(feats, edge_index, W, b):
    src = edge_index[0].astype(jnp.int32)
    dst = edge_index[1].astype(jnp.int32)

    src_flat = jnp.zeros((E_PAD,), jnp.int32).at[:E].set(src)
    dst_flat = jnp.full((E_PAD,), TRASH, jnp.int32).at[:E].set(dst)
    src_c = src_flat.reshape(-1, CHP)
    dst_c = dst_flat.reshape(-1, CHP)
    dst_c128 = dst_flat.reshape(-1, CH)

    zeros = jnp.zeros((N_PAD, DH), jnp.float32)
    zeros16 = jnp.zeros((N_PAD, 16), jnp.float32)
    ones16 = jnp.ones((CH, 16), jnp.float32)

    deg2 = _deg_kernel(dst_c128, zeros16, ones16)
    normb, hn0 = _prep_call(deg2, feats)
    a1 = _prop_kernel(hn0, src_c, dst_c, zeros)
    hn1 = _scale_call(a1, normb)
    a2 = _prop_kernel(hn1, src_c, dst_c, zeros)
    return _mm_call(feats, a1, a1, a2, a2, normb, W, b[None, :])

# --- scband reference (transcript-rebuilt; emitter-appended) ---
"""Pipeline reference for scband-general-backbone-13400297963690 (READ-ONLY COPY).

The authoritative reference and input builder live on the scoring server;
editing this copy changes nothing except your own understanding.
"""

import jax, jax.numpy as jnp
import numpy as np

N = 10000
E = 320000
IN_FEATS = 128
OUT_FEATS = 128
K = 2  # num_steps


def setup_inputs(seed: int = 0) -> dict:
    key = jax.random.key(seed)
    k1, k2, k3, k4 = jax.random.split(key, 4)
    feats = jax.random.normal(k1, (N, IN_FEATS), dtype=jnp.float32)
    edge_index = jax.random.randint(k2, (2, E), 0, N, dtype=jnp.int32)
    # TAGConv (DGL-style) fuses [x, A_hat x, A_hat^2 x] through one linear layer
    W = jax.random.normal(k3, (IN_FEATS * (K + 1), OUT_FEATS), dtype=jnp.float32) * 0.05
    b = jnp.zeros((OUT_FEATS,), dtype=jnp.float32)
    return {"feats": feats, "edge_index": edge_index, "W": W, "b": b}


def reference(feats, edge_index, W, b):
    # TAGConv: h = Linear(concat_{k=0..K} (D^{-1/2} A D^{-1/2})^k x)
    src = edge_index[0]
    dst = edge_index[1]
    # symmetric normalization using in-degrees (DGL TAGConv convention)
    deg = jnp.zeros((N,), dtype=jnp.float32).at[dst].add(1.0)
    norm = jnp.power(jnp.clip(deg, 1.0, None), -0.5)
    fstack = [feats]
    h = feats
    for _ in range(K):
        hn = h * norm[:, None]
        msgs = hn[src]  # gather
        agg = jax.ops.segment_sum(msgs, dst, num_segments=N)  # scatter-add
        h = agg * norm[:, None]
        fstack.append(h)
    feat_cat = jnp.concatenate(fstack, axis=1)
    return feat_cat @ W + b

if __name__ == "__main__":
    import jax
    _d = setup_inputs()
    print(jax.jit(kernel)(*tuple(_d.values())))

</pallas_src>

<mosaic_0001>
#map = affine_map<(d0, d1) -> (0, 0, 0)>
#map1 = affine_map<(d0, d1) -> (0, 0)>
module attributes {stable_mosaic.version = 14 : i64} {
  func.func @_prop_kernel(%arg0: i32, %arg1: i32, %arg2: memref<2x10112x64xf32, #tpu.memory_space<hbm>>, %arg3: memref<1280x256xi32, #tpu.memory_space<hbm>>, %arg4: memref<1280x256xi32, #tpu.memory_space<hbm>>, %arg5: memref<10112x64xf32, #tpu.memory_space<hbm>>, %arg6: memref<2x10112x64xf32, #tpu.memory_space<hbm>>, %arg7: memref<80x256xi32, #tpu.memory_space<vmem>>, %arg8: memref<80x256xi32, #tpu.memory_space<vmem>>, %arg9: memref<256x64xf32, #tpu.memory_space<vmem>>, %arg10: memref<256x64xf32, #tpu.memory_space<vmem>>, %arg11: memref<256x64xf32, #tpu.memory_space<vmem>>, %arg12: memref<10112x64xf32, #tpu.memory_space<vmem_shared>>, %arg13: memref<!tpu.dma_semaphore, #tpu.memory_space<semaphore_mem>>, %arg14: memref<!tpu.dma_semaphore, #tpu.memory_space<semaphore_mem>>, %arg15: memref<!tpu.dma_semaphore, #tpu.memory_space<semaphore_mem>>, %arg16: memref<!tpu.dma_semaphore, #tpu.memory_space<semaphore_mem>>, %arg17: memref<!tpu.dma_semaphore, #tpu.memory_space<semaphore_mem>>, %arg18: memref<!tpu.dma_semaphore, #tpu.memory_space<semaphore_mem>>) attributes {dimension_semantics = [#tpu.dimension_semantics<core_parallel>, #tpu.dimension_semantics<subcore_parallel>], iteration_bounds = array<i64: 2, 16>, scalar_prefetch = 0 : i64, scratch_operands = 12 : i64, tpu.core_type = #tpu.core_type<sc_vector_subcore>, window_params = [{transform_indices = #map}, {transform_indices = #map1}, {transform_indices = #map1}, {transform_indices = #map1}, {transform_indices = #map}]} {
    %mul3A = arith.constant 632 : i32
    %mul3A_0 = arith.muli %arg1, %mul3A : i32
    "tpu.region"() ({
      %run_scoped3A = tpu.sem_alloc : memref<!tpu.dma_semaphore, #tpu.memory_space<semaphore_mem>>
      %dma_start3A_115 = arith.constant 0 : i32
      %dma_start3A_116 = tpu.memref_slice %arg12[%mul3A_0, %dma_start3A_115] : memref<10112x64xf32, #tpu.memory_space<vmem_shared>> -> memref<632x64xf32, #tpu.memory_space<vmem_shared>>
      %dma_start3A_117 = arith.constant 0 : i32
      %dma_start3A_118 = tpu.memref_slice %arg5[%mul3A_0, %dma_start3A_117] : memref<10112x64xf32, #tpu.memory_space<hbm>> -> memref<632x64xf32, #tpu.memory_space<hbm>>
      tpu.enqueue_dma source(%dma_start3A_118 : memref<632x64xf32, #tpu.memory_space<hbm>>) target(%dma_start3A_116 : memref<632x64xf32, #tpu.memory_space<vmem_shared>>) target_semaphore(%run_scoped3A : memref<!tpu.dma_semaphore, #tpu.memory_space<semaphore_mem>>)
      %dma_wait3A_119 = arith.constant 0 : i32
      %dma_wait3A_120 = tpu.memref_slice %arg12[%mul3A_0, %dma_wait3A_119] : memref<10112x64xf32, #tpu.memory_space<vmem_shared>> -> memref<632x64xf32, #tpu.memory_space<vmem_shared>>
      %dma_wait3A_121 = arith.constant 0 : i32
      %dma_wait3A_122 = tpu.memref_slice %arg5[%mul3A_0, %dma_wait3A_121] : memref<10112x64xf32, #tpu.memory_space<hbm>> -> memref<632x64xf32, #tpu.memory_space<hbm>>
      tpu.wait_dma2 semaphore(%run_scoped3A : memref<!tpu.dma_semaphore, #tpu.memory_space<semaphore_mem>>) src(%dma_wait3A_122 : memref<632x64xf32, #tpu.memory_space<hbm>>) dst(%dma_wait3A_120 : memref<632x64xf32, #tpu.memory_space<vmem_shared>>)
      tpu.yield
    }) : () -> ()
    %mul3A_1 = arith.constant 80 : i32
    %mul3A_2 = arith.muli %arg1, %mul3A_1 : i32
    "tpu.region"() ({
      %run_scoped3A = tpu.sem_alloc : memref<!tpu.dma_semaphore, #tpu.memory_space<semaphore_mem>>
      %dma_start3A_115 = arith.constant 0 : i32
      %dma_start3A_116 = tpu.memref_slice %arg3[%mul3A_2, %dma_start3A_115] : memref<1280x256xi32, #tpu.memory_space<hbm>> -> memref<80x256xi32, #tpu.memory_space<hbm>>
      %dma_start3A_117 = arith.constant 0 : i32
      %dma_start3A_118 = tpu.memref_slice %arg3[%mul3A_2, %dma_start3A_117] : memref<1280x256xi32, #tpu.memory_space<hbm>> -> memref<80x256xi32, #tpu.memory_space<hbm>>
      tpu.enqueue_dma source(%dma_start3A_118 : memref<80x256xi32, #tpu.memory_space<hbm>>) target(%arg7 : memref<80x256xi32, #tpu.memory_space<vmem>>) target_semaphore(%run_scoped3A : memref<!tpu.dma_semaphore, #tpu.memory_space<semaphore_mem>>)
      %dma_wait3A_119 = arith.constant 0 : i32
      %dma_wait3A_120 = tpu.memref_slice %arg3[%mul3A_2, %dma_wait3A_119] : memref<1280x256xi32, #tpu.memory_space<hbm>> -> memref<80x256xi32, #tpu.memory_space<hbm>>
      %dma_wait3A_121 = arith.constant 0 : i32
      %dma_wait3A_122 = tpu.memref_slice %arg3[%mul3A_2, %dma_wait3A_121] : memref<1280x256xi32, #tpu.memory_space<hbm>> -> memref<80x256xi32, #tpu.memory_space<hbm>>
      tpu.wait_dma2 semaphore(%run_scoped3A : memref<!tpu.dma_semaphore, #tpu.memory_space<semaphore_mem>>) src(%dma_wait3A_122 : memref<80x256xi32, #tpu.memory_space<hbm>>) dst(%arg7 : memref<80x256xi32, #tpu.memory_space<vmem>>)
      tpu.yield
    }) : () -> ()
    %mul3A_3 = arith.constant 80 : i32
    %mul3A_4 = arith.muli %arg1, %mul3A_3 : i32
    "tpu.region"() ({
      %run_scoped3A = tpu.sem_alloc : memref<!tpu.dma_semaphore, #tpu.memory_space<semaphore_mem>>
      %dma_start3A_115 = arith.constant 0 : i32
      %dma_start3A_116 = tpu.memref_slice %arg4[%mul3A_4, %dma_start3A_115] : memref<1280x256xi32, #tpu.memory_space<hbm>> -> memref<80x256xi32, #tpu.memory_space<hbm>>
      %dma_start3A_117 = arith.constant 0 : i32
      %dma_start3A_118 = tpu.memref_slice %arg4[%mul3A_4, %dma_start3A_117] : memref<1280x256xi32, #tpu.memory_space<hbm>> -> memref<80x256xi32, #tpu.memory_space<hbm>>
      tpu.enqueue_dma source(%dma_start3A_118 : memref<80x256xi32, #tpu.memory_space<hbm>>) target(%arg8 : memref<80x256xi32, #tpu.memory_space<vmem>>) target_semaphore(%run_scoped3A : memref<!tpu.dma_semaphore, #tpu.memory_space<semaphore_mem>>)
      %dma_wait3A_119 = arith.constant 0 : i32
      %dma_wait3A_120 = tpu.memref_slice %arg4[%mul3A_4, %dma_wait3A_119] : memref<1280x256xi32, #tpu.memory_space<hbm>> -> memref<80x256xi32, #tpu.memory_space<hbm>>
      %dma_wait3A_121 = arith.constant 0 : i32
      %dma_wait3A_122 = tpu.memref_slice %arg4[%mul3A_4, %dma_wait3A_121] : memref<1280x256xi32, #tpu.memory_space<hbm>> -> memref<80x256xi32, #tpu.memory_space<hbm>>
      tpu.wait_dma2 semaphore(%run_scoped3A : memref<!tpu.dma_semaphore, #tpu.memory_space<semaphore_mem>>) src(%dma_wait3A_122 : memref<80x256xi32, #tpu.memory_space<hbm>>) dst(%arg8 : memref<80x256xi32, #tpu.memory_space<vmem>>)
      tpu.yield
    }) : () -> ()
    %barrier3A = arith.constant 0 : index
    tpu.barrier barrier_id(%barrier3A)
    %dma_start3A = arith.constant 0 : i32
    %dma_start3A_5 = arith.constant 0 : i32
    %dma_start3A_6 = tpu.memref_slice %arg7[%dma_start3A, %dma_start3A_5] : memref<80x256xi32, #tpu.memory_space<vmem>> -> memref<1x256xi32, #tpu.memory_space<vmem>>
    %dma_start3A_7 = tpu.memref_squeeze %dma_start3A_6 : memref<1x256xi32, #tpu.memory_space<vmem>> -> memref<256xi32, #tpu.memory_space<vmem>>
    %dma_start3A_8 = arith.constant 0 : i32
    %dma_start3A_9 = arith.constant 0 : i32
    %dma_start3A_10 = tpu.memref_slice %arg2[%arg0, %dma_start3A_8, %dma_start3A_9] : memref<2x10112x64xf32, #tpu.memory_space<hbm>> -> memref<1x10112x64xf32, #tpu.memory_space<hbm>>
    %dma_start3A_11 = tpu.memref_squeeze %dma_start3A_10 : memref<1x10112x64xf32, #tpu.memory_space<hbm>> -> memref<10112x64xf32, #tpu.memory_space<hbm>>
    %dma_start3A_12 = arith.constant 0 : i32
    %dma_start3A_13 = arith.constant 0 : i32
    %dma_start3A_14 = tpu.memref_slice %dma_start3A_11[%dma_start3A_12, %dma_start3A_13] : memref<10112x64xf32, #tpu.memory_space<hbm>> -> memref<10112x64xf32, #tpu.memory_space<hbm>>
    tpu.enqueue_indirect_dma source(%dma_start3A_14 : memref<10112x64xf32, #tpu.memory_space<hbm>>) target(%arg9 : memref<256x64xf32, #tpu.memory_space<vmem>>) offsets(%dma_start3A_7 : memref<256xi32, #tpu.memory_space<vmem>>) semaphore(%arg13 : memref<!tpu.dma_semaphore, #tpu.memory_space<semaphore_mem>>)
    %scan3A = arith.constant 0 : i32
    %scan3A_15 = arith.constant 0 : i32
    %scan3A_16 = arith.constant 26 : i32
    %scan3A_17 = arith.addi %scan3A_15, %scan3A_16 : i32
    %scan3A_18 = arith.constant 1 : i32
    scf.for %scan3A_115 = %scan3A_15 to %scan3A_17 step %scan3A_18  : i32 {
      %mul3A_116 = arith.constant 3 : i32
      %mul3A_117 = arith.muli %mul3A_116, %scan3A_115 : i32
      %add3A_118 = arith.constant 0 : i32
      %add3A_119 = arith.addi %mul3A_117, %add3A_118 : i32
      %dma_wait3A_120 = arith.constant 0 : i32
      %dma_wait3A_121 = arith.constant 0 : i32
      %dma_wait3A_122 = tpu.memref_slice %arg2[%arg0, %dma_wait3A_120, %dma_wait3A_121] : memref<2x10112x64xf32, #tpu.memory_space<hbm>> -> memref<1x10112x64xf32, #tpu.memory_space<hbm>>
      %dma_wait3A_123 = tpu.memref_squeeze %dma_wait3A_122 : memref<1x10112x64xf32, #tpu.memory_space<hbm>> -> memref<10112x64xf32, #tpu.memory_space<hbm>>
      %dma_wait3A_124 = arith.constant 0 : i32
      %dma_wait3A_125 = arith.constant 0 : i32
      %dma_wait3A_126 = tpu.memref_slice %dma_wait3A_123[%dma_wait3A_124, %dma_wait3A_125] : memref<10112x64xf32, #tpu.memory_space<hbm>> -> memref<256x64xf32, #tpu.memory_space<hbm>>
      %dma_wait3A_127 = arith.constant 0 : i32
      %dma_wait3A_128 = arith.constant 0 : i32
      %dma_wait3A_129 = tpu.memref_slice %arg2[%arg0, %dma_wait3A_127, %dma_wait3A_128] : memref<2x10112x64xf32, #tpu.memory_space<hbm>> -> memref<1x10112x64xf32, #tpu.memory_space<hbm>>
      %dma_wait3A_130 = tpu.memref_squeeze %dma_wait3A_129 : memref<1x10112x64xf32, #tpu.memory_space<hbm>> -> memref<10112x64xf32, #tpu.memory_space<hbm>>
      %dma_wait3A_131 = arith.constant 0 : i32
      %dma_wait3A_132 = arith.constant 0 : i32
      %dma_wait3A_133 = tpu.memref_slice %dma_wait3A_130[%dma_wait3A_131, %dma_wait3A_132] : memref<10112x64xf32, #tpu.memory_space<hbm>> -> memref<256x64xf32, #tpu.memory_space<hbm>>
      tpu.wait_dma2 semaphore(%arg13 : memref<!tpu.dma_semaphore, #tpu.memory_space<semaphore_mem>>) src(%dma_wait3A_133 : memref<256x64xf32, #tpu.memory_space<hbm>>) dst(%arg9 : memref<256x64xf32, #tpu.memory_space<vmem>>)
      %dma_start3A_134 = arith.constant 0 : i32
      %dma_start3A_135 = tpu.memref_slice %arg8[%add3A_119, %dma_start3A_134] : memref<80x256xi32, #tpu.memory_space<vmem>> -> memref<1x256xi32, #tpu.memory_space<vmem>>
      %dma_start3A_136 = tpu.memref_squeeze %dma_start3A_135 : memref<1x256xi32, #tpu.memory_space<vmem>> -> memref<256xi32, #tpu.memory_space<vmem>>
      %dma_start3A_137 = arith.constant 0 : i32
      %dma_start3A_138 = arith.constant 0 : i32
      %dma_start3A_139 = tpu.memref_slice %arg12[%dma_start3A_137, %dma_start3A_138] : memref<10112x64xf32, #tpu.memory_space<vmem_shared>> -> memref<10112x64xf32, #tpu.memory_space<vmem_shared>>
      tpu.enqueue_indirect_dma source(%arg9 : memref<256x64xf32, #tpu.memory_space<vmem>>) target(%dma_start3A_139 : memref<10112x64xf32, #tpu.memory_space<vmem_shared>>) offsets(%dma_start3A_136 : memref<256xi32, #tpu.memory_space<vmem>>) semaphore(%arg16 : memref<!tpu.dma_semaphore, #tpu.memory_space<semaphore_mem>>) {add = true}
      %ge3A_140 = arith.constant 2 : i32
      %ge3A_141 = arith.cmpi sge, %add3A_119, %ge3A_140 : i32
      %convert_element_type3A_142 = arith.extui %ge3A_141 : i1 to i32
      %cond3A_143 = arith.constant 0 : i32
      %cond3A_144 = arith.cmpi ne, %convert_element_type3A_142, %cond3A_143 : i32
      scf.if %cond3A_144 {
        %dma_wait3A_220 = arith.constant 0 : i32
        %dma_wait3A_221 = arith.constant 0 : i32
        %dma_wait3A_222 = tpu.memref_slice %arg2[%arg0, %dma_wait3A_220, %dma_wait3A_221] : memref<2x10112x64xf32, #tpu.memory_space<hbm>> -> memref<1x10112x64xf32, #tpu.memory_space<hbm>>
        %dma_wait3A_223 = tpu.memref_squeeze %dma_wait3A_222 : memref<1x10112x64xf32, #tpu.memory_space<hbm>> -> memref<10112x64xf32, #tpu.memory_space<hbm>>
        %dma_wait3A_224 = arith.constant 0 : i32
        %dma_wait3A_225 = arith.constant 0 : i32
        %dma_wait3A_226 = tpu.memref_slice %dma_wait3A_223[%dma_wait3A_224, %dma_wait3A_225] : memref<10112x64xf32, #tpu.memory_space<hbm>> -> memref<256x64xf32, #tpu.memory_space<hbm>>
        %dma_wait3A_227 = arith.constant 0 : i32
        %dma_wait3A_228 = arith.constant 0 : i32
        %dma_wait3A_229 = tpu.memref_slice %arg2[%arg0, %dma_wait3A_227, %dma_wait3A_228] : memref<2x10112x64xf32, #tpu.memory_space<hbm>> -> memref<1x10112x64xf32, #tpu.memory_space<hbm>>
        %dma_wait3A_230 = tpu.memref_squeeze %dma_wait3A_229 : memref<1x10112x64xf32, #tpu.memory_space<hbm>> -> memref<10112x64xf32, #tpu.memory_space<hbm>>
        %dma_wait3A_231 = arith.constant 0 : i32
        %dma_wait3A_232 = arith.constant 0 : i32
        %dma_wait3A_233 = tpu.memref_slice %dma_wait3A_230[%dma_wait3A_231, %dma_wait3A_232] : memref<10112x64xf32, #tpu.memory_space<hbm>> -> memref<256x64xf32, #tpu.memory_space<hbm>>
        tpu.wait_dma2 semaphore(%arg17 : memref<!tpu.dma_semaphore, #tpu.memory_space<semaphore_mem>>) src(%dma_wait3A_233 : memref<256x64xf32, #tpu.memory_space<hbm>>) dst(%arg10 : memref<256x64xf32, #tpu.memory_space<vmem>>)
      } else {
      }
      %add3A_145 = arith.constant 1 : i32
      %add3A_146 = arith.addi %add3A_119, %add3A_145 : i32
      %lt3A_147 = arith.constant 80 : i32
      %lt3A_148 = arith.cmpi slt, %add3A_146, %lt3A_147 : i32
      %convert_element_type3A_149 = arith.extui %lt3A_148 : i1 to i32
      %cond3A_150 = arith.constant 0 : i32
      %cond3A_151 = arith.cmpi ne, %convert_element_type3A_149, %cond3A_150 : i32
      scf.if %cond3A_151 {
        %add3A_220 = arith.constant 1 : i32
        %add3A_221 = arith.addi %add3A_119, %add3A_220 : i32
        %dma_start3A_222 = arith.constant 0 : i32
        %dma_start3A_223 = tpu.memref_slice %arg7[%add3A_221, %dma_start3A_222] : memref<80x256xi32, #tpu.memory_space<vmem>> -> memref<1x256xi32, #tpu.memory_space<vmem>>
        %dma_start3A_224 = tpu.memref_squeeze %dma_start3A_223 : memref<1x256xi32, #tpu.memory_space<vmem>> -> memref<256xi32, #tpu.memory_space<vmem>>
        %dma_start3A_225 = arith.constant 0 : i32
        %dma_start3A_226 = arith.constant 0 : i32
        %dma_start3A_227 = tpu.memref_slice %arg2[%arg0, %dma_start3A_225, %dma_start3A_226] : memref<2x10112x64xf32, #tpu.memory_space<hbm>> -> memref<1x10112x64xf32, #tpu.memory_space<hbm>>
        %dma_start3A_228 = tpu.memref_squeeze %dma_start3A_227 : memref<1x10112x64xf32, #tpu.memory_space<hbm>> -> memref<10112x64xf32, #tpu.memory_space<hbm>>
        %dma_start3A_229 = arith.constant 0 : i32
        %dma_start3A_230 = arith.constant 0 : i32
        %dma_start3A_231 = tpu.memref_slice %dma_start3A_228[%dma_start3A_229, %dma_start3A_230] : memref<10112x64xf32, #tpu.memory_space<hbm>> -> memref<10112x64xf32, #tpu.memory_space<hbm>>
        tpu.enqueue_indirect_dma source(%dma_start3A_231 : memref<10112x64xf32, #tpu.memory_space<hbm>>) target(%arg10 : memref<256x64xf32, #tpu.memory_space<vmem>>) offsets(%dma_start3A_224 : memref<256xi32, #tpu.memory_space<vmem>>) semaphore(%arg14 : memref<!tpu.dma_semaphore, #tpu.memory_space<semaphore_mem>>)
      } else {
      }
      %add3A_152 = arith.constant 1 : i32
      %add3A_153 = arith.addi %mul3A_117, %add3A_152 : i32
      %dma_wait3A_154 = arith.constant 0 : i32
      %dma_wait3A_155 = arith.constant 0 : i32
      %dma_wait3A_156 = tpu.memref_slice %arg2[%arg0, %dma_wait3A_154, %dma_wait3A_155] : memref<2x10112x64xf32, #tpu.memory_space<hbm>> -> memref<1x10112x64xf32, #tpu.memory_space<hbm>>
      %dma_wait3A_157 = tpu.memref_squeeze %dma_wait3A_156 : memref<1x10112x64xf32, #tpu.memory_space<hbm>> -> memref<10112x64xf32, #tpu.memory_space<hbm>>
      %dma_wait3A_158 = arith.constant 0 : i32
      %dma_wait3A_159 = arith.constant 0 : i32
      %dma_wait3A_160 = tpu.memref_slice %dma_wait3A_157[%dma_wait3A_158, %dma_wait3A_159] : memref<10112x64xf32, #tpu.memory_space<hbm>> -> memref<256x64xf32, #tpu.memory_space<hbm>>
      %dma_wait3A_161 = arith.constant 0 : i32
      %dma_wait3A_162 = arith.constant 0 : i32
      %dma_wait3A_163 = tpu.memref_slice %arg2[%arg0, %dma_wait3A_161, %dma_wait3A_162] : memref<2x10112x64xf32, #tpu.memory_space<hbm>> -> memref<1x10112x64xf32, #tpu.memory_space<hbm>>
      %dma_wait3A_164 = tpu.memref_squeeze %dma_wait3A_163 : memref<1x10112x64xf32, #tpu.memory_space<hbm>> -> memref<10112x64xf32, #tpu.memory_space<hbm>>
      %dma_wait3A_165 = arith.constant 0 : i32
      %dma_wait3A_166 = arith.constant 0 : i32
      %dma_wait3A_167 = tpu.memref_slice %dma_wait3A_164[%dma_wait3A_165, %dma_wait3A_166] : memref<10112x64xf32, #tpu.memory_space<hbm>> -> memref<256x64xf32, #tpu.memory_space<hbm>>
      tpu.wait_dma2 semaphore(%arg14 : memref<!tpu.dma_semaphore, #tpu.memory_space<semaphore_mem>>) src(%dma_wait3A_167 : memref<256x64xf32, #tpu.memory_space<hbm>>) dst(%arg10 : memref<256x64xf32, #tpu.memory_space<vmem>>)
      %dma_start3A_168 = arith.constant 0 : i32
      %dma_start3A_169 = tpu.memref_slice %arg8[%add3A_153, %dma_start3A_168] : memref<80x256xi32, #tpu.memory_space<vmem>> -> memref<1x256xi32, #tpu.memory_space<vmem>>
      %dma_start3A_170 = tpu.memref_squeeze %dma_start3A_169 : memref<1x256xi32, #tpu.memory_space<vmem>> -> memref<256xi32, #tpu.memory_space<vmem>>
      %dma_start3A_171 = arith.constant 0 : i32
      %dma_start3A_172 = arith.constant 0 : i32
      %dma_start3A_173 = tpu.memref_slice %arg12[%dma_start3A_171, %dma_start3A_172] : memref<10112x64xf32, #tpu.memory_space<vmem_shared>> -> memref<10112x64xf32, #tpu.memory_space<vmem_shared>>
      tpu.enqueue_indirect_dma source(%arg10 : memref<256x64xf32, #tpu.memory_space<vmem>>) target(%dma_start3A_173 : memref<10112x64xf32, #tpu.memory_space<vmem_shared>>) offsets(%dma_start3A_170 : memref<256xi32, #tpu.memory_space<vmem>>) semaphore(%arg17 : memref<!tpu.dma_semaphore, #tpu.memory_space<semaphore_mem>>) {add = true}
      %ge3A_174 = arith.constant 2 : i32
      %ge3A_175 = arith.cmpi sge, %add3A_153, %ge3A_174 : i32
      %convert_element_type3A_176 = arith.extui %ge3A_175 : i1 to i32
      %cond3A_177 = arith.constant 0 : i32
      %cond3A_178 = arith.cmpi ne, %convert_element_type3A_176, %cond3A_177 : i32
      scf.if %cond3A_178 {
        %dma_wait3A_220 = arith.constant 0 : i32
        %dma_wait3A_221 = arith.constant 0 : i32
        %dma_wait3A_222 = tpu.memref_slice %arg2[%arg0, %dma_wait3A_220, %dma_wait3A_221] : memref<2x10112x64xf32, #tpu.memory_space<hbm>> -> memref<1x10112x64xf32, #tpu.memory_space<hbm>>
        %dma_wait3A_223 = tpu.memref_squeeze %dma_wait3A_222 : memref<1x10112x64xf32, #tpu.memory_space<hbm>> -> memref<10112x64xf32, #tpu.memory_space<hbm>>
        %dma_wait3A_224 = arith.constant 0 : i32
        %dma_wait3A_225 = arith.constant 0 : i32
        %dma_wait3A_226 = tpu.memref_slice %dma_wait3A_223[%dma_wait3A_224, %dma_wait3A_225] : memref<10112x64xf32, #tpu.memory_space<hbm>> -> memref<256x64xf32, #tpu.memory_space<hbm>>
        %dma_wait3A_227 = arith.constant 0 : i32
        %dma_wait3A_228 = arith.constant 0 : i32
        %dma_wait3A_229 = tpu.memref_slice %arg2[%arg0, %dma_wait3A_227, %dma_wait3A_228] : memref<2x10112x64xf32, #tpu.memory_space<hbm>> -> memref<1x10112x64xf32, #tpu.memory_space<hbm>>
        %dma_wait3A_230 = tpu.memref_squeeze %dma_wait3A_229 : memref<1x10112x64xf32, #tpu.memory_space<hbm>> -> memref<10112x64xf32, #tpu.memory_space<hbm>>
        %dma_wait3A_231 = arith.constant 0 : i32
        %dma_wait3A_232 = arith.constant 0 : i32
        %dma_wait3A_233 = tpu.memref_slice %dma_wait3A_230[%dma_wait3A_231, %dma_wait3A_232] : memref<10112x64xf32, #tpu.memory_space<hbm>> -> memref<256x64xf32, #tpu.memory_space<hbm>>
        tpu.wait_dma2 semaphore(%arg18 : memref<!tpu.dma_semaphore, #tpu.memory_space<semaphore_mem>>) src(%dma_wait3A_233 : memref<256x64xf32, #tpu.memory_space<hbm>>) dst(%arg11 : memref<256x64xf32, #tpu.memory_space<vmem>>)
      } else {
      }
      %add3A_179 = arith.constant 1 : i32
      %add3A_180 = arith.addi %add3A_153, %add3A_179 : i32
      %lt3A_181 = arith.constant 80 : i32
      %lt3A_182 = arith.cmpi slt, %add3A_180, %lt3A_181 : i32
      %convert_element_type3A_183 = arith.extui %lt3A_182 : i1 to i32
      %cond3A_184 = arith.constant 0 : i32
      %cond3A_185 = arith.cmpi ne, %convert_element_type3A_183, %cond3A_184 : i32
      scf.if %cond3A_185 {
        %add3A_220 = arith.constant 1 : i32
        %add3A_221 = arith.addi %add3A_153, %add3A_220 : i32
        %dma_start3A_222 = arith.constant 0 : i32
        %dma_start3A_223 = tpu.memref_slice %arg7[%add3A_221, %dma_start3A_222] : memref<80x256xi32, #tpu.memory_space<vmem>> -> memref<1x256xi32, #tpu.memory_space<vmem>>
        %dma_start3A_224 = tpu.memref_squeeze %dma_start3A_223 : memref<1x256xi32, #tpu.memory_space<vmem>> -> memref<256xi32, #tpu.memory_space<vmem>>
        %dma_start3A_225 = arith.constant 0 : i32
        %dma_start3A_226 = arith.constant 0 : i32
        %dma_start3A_227 = tpu.memref_slice %arg2[%arg0, %dma_start3A_225, %dma_start3A_226] : memref<2x10112x64xf32, #tpu.memory_space<hbm>> -> memref<1x10112x64xf32, #tpu.memory_space<hbm>>
        %dma_start3A_228 = tpu.memref_squeeze %dma_start3A_227 : memref<1x10112x64xf32, #tpu.memory_space<hbm>> -> memref<10112x64xf32, #tpu.memory_space<hbm>>
        %dma_start3A_229 = arith.constant 0 : i32
        %dma_start3A_230 = arith.constant 0 : i32
        %dma_start3A_231 = tpu.memref_slice %dma_start3A_228[%dma_start3A_229, %dma_start3A_230] : memref<10112x64xf32, #tpu.memory_space<hbm>> -> memref<10112x64xf32, #tpu.memory_space<hbm>>
        tpu.enqueue_indirect_dma source(%dma_start3A_231 : memref<10112x64xf32, #tpu.memory_space<hbm>>) target(%arg11 : memref<256x64xf32, #tpu.memory_space<vmem>>) offsets(%dma_start3A_224 : memref<256xi32, #tpu.memory_space<vmem>>) semaphore(%arg15 : memref<!tpu.dma_semaphore, #tpu.memory_space<semaphore_mem>>)
      } else {
      }
      %add3A_186 = arith.constant 2 : i32
      %add3A_187 = arith.addi %mul3A_117, %add3A_186 : i32
      %dma_wait3A_188 = arith.constant 0 : i32
      %dma_wait3A_189 = arith.constant 0 : i32
      %dma_wait3A_190 = tpu.memref_slice %arg2[%arg0, %dma_wait3A_188, %dma_wait3A_189] : memref<2x10112x64xf32, #tpu.memory_space<hbm>> -> memref<1x10112x64xf32, #tpu.memory_space<hbm>>
      %dma_wait3A_191 = tpu.memref_squeeze %dma_wait3A_190 : memref<1x10112x64xf32, #tpu.memory_space<hbm>> -> memref<10112x64xf32, #tpu.memory_space<hbm>>
      %dma_wait3A_192 = arith.constant 0 : i32
      %dma_wait3A_193 = arith.constant 0 : i32
      %dma_wait3A_194 = tpu.memref_slice %dma_wait3A_191[%dma_wait3A_192, %dma_wait3A_193] : memref<10112x64xf32, #tpu.memory_space<hbm>> -> memref<256x64xf32, #tpu.memory_space<hbm>>
      %dma_wait3A_195 = arith.constant 0 : i32
      %dma_wait3A_196 = arith.constant 0 : i32
      %dma_wait3A_197 = tpu.memref_slice %arg2[%arg0, %dma_wait3A_195, %dma_wait3A_196] : memref<2x10112x64xf32, #tpu.memory_space<hbm>> -> memref<1x10112x64xf32, #tpu.memory_space<hbm>>
      %dma_wait3A_198 = tpu.memref_squeeze %dma_wait3A_197 : memref<1x10112x64xf32, #tpu.memory_space<hbm>> -> memref<10112x64xf32, #tpu.memory_space<hbm>>
      %dma_wait3A_199 = arith.constant 0 : i32
      %dma_wait3A_200 = arith.constant 0 : i32
      %dma_wait3A_201 = tpu.memref_slice %dma_wait3A_198[%dma_wait3A_199, %dma_wait3A_200] : memref<10112x64xf32, #tpu.memory_space<hbm>> -> memref<256x64xf32, #tpu.memory_space<hbm>>
      tpu.wait_dma2 semaphore(%arg15 : memref<!tpu.dma_semaphore, #tpu.memory_space<semaphore_mem>>) src(%dma_wait3A_201 : memref<256x64xf32, #tpu.memory_space<hbm>>) dst(%arg11 : memref<256x64xf32, #tpu.memory_space<vmem>>)
      %dma_start3A_202 = arith.constant 0 : i32
      %dma_start3A_203 = tpu.memref_slice %arg8[%add3A_187, %dma_start3A_202] : memref<80x256xi32, #tpu.memory_space<vmem>> -> memref<1x256xi32, #tpu.memory_space<vmem>>
      %dma_start3A_204 = tpu.memref_squeeze %dma_start3A_203 : memref<1x256xi32, #tpu.memory_space<vmem>> -> memref<256xi32, #tpu.memory_space<vmem>>
      %dma_start3A_205 = arith.constant 0 : i32
      %dma_start3A_206 = arith.constant 0 : i32
      %dma_start3A_207 = tpu.memref_slice %arg12[%dma_start3A_205, %dma_start3A_206] : memref<10112x64xf32, #tpu.memory_space<vmem_shared>> -> memref<10112x64xf32, #tpu.memory_space<vmem_shared>>
      tpu.enqueue_indirect_dma source(%arg11 : memref<256x64xf32, #tpu.memory_space<vmem>>) target(%dma_start3A_207 : memref<10112x64xf32, #tpu.memory_space<vmem_shared>>) offsets(%dma_start3A_204 : memref<256xi32, #tpu.memory_space<vmem>>) semaphore(%arg18 : memref<!tpu.dma_semaphore, #tpu.memory_space<semaphore_mem>>) {add = true}
      %ge3A_208 = arith.constant 2 : i32
      %ge3A_209 = arith.cmpi sge, %add3A_187, %ge3A_208 : i32
      %convert_element_type3A_210 = arith.extui %ge3A_209 : i1 to i32
      %cond3A_211 = arith.constant 0 : i32
      %cond3A_212 = arith.cmpi ne, %convert_element_type3A_210, %cond3A_211 : i32
      scf.if %cond3A_212 {
        %dma_wait3A_220 = arith.constant 0 : i32
        %dma_wait3A_221 = arith.constant 0 : i32
        %dma_wait3A_222 = tpu.memref_slice %arg2[%arg0, %dma_wait3A_220, %dma_wait3A_221] : memref<2x10112x64xf32, #tpu.memory_space<hbm>> -> memref<1x10112x64xf32, #tpu.memory_space<hbm>>
        %dma_wait3A_223 = tpu.memref_squeeze %dma_wait3A_222 : memref<1x10112x64xf32, #tpu.memory_space<hbm>> -> memref<10112x64xf32, #tpu.memory_space<hbm>>
        %dma_wait3A_224 = arith.constant 0 : i32
        %dma_wait3A_225 = arith.constant 0 : i32
        %dma_wait3A_226 = tpu.memref_slice %dma_wait3A_223[%dma_wait3A_224, %dma_wait3A_225] : memref<10112x64xf32, #tpu.memory_space<hbm>> -> memref<256x64xf32, #tpu.memory_space<hbm>>
        %dma_wait3A_227 = arith.constant 0 : i32
        %dma_wait3A_228 = arith.constant 0 : i32
        %dma_wait3A_229 = tpu.memref_slice %arg2[%arg0, %dma_wait3A_227, %dma_wait3A_228] : memref<2x10112x64xf32, #tpu.memory_space<hbm>> -> memref<1x10112x64xf32, #tpu.memory_space<hbm>>
        %dma_wait3A_230 = tpu.memref_squeeze %dma_wait3A_229 : memref<1x10112x64xf32, #tpu.memory_space<hbm>> -> memref<10112x64xf32, #tpu.memory_space<hbm>>
        %dma_wait3A_231 = arith.constant 0 : i32
        %dma_wait3A_232 = arith.constant 0 : i32
        %dma_wait3A_233 = tpu.memref_slice %dma_wait3A_230[%dma_wait3A_231, %dma_wait3A_232] : memref<10112x64xf32, #tpu.memory_space<hbm>> -> memref<256x64xf32, #tpu.memory_space<hbm>>
        tpu.wait_dma2 semaphore(%arg16 : memref<!tpu.dma_semaphore, #tpu.memory_space<semaphore_mem>>) src(%dma_wait3A_233 : memref<256x64xf32, #tpu.memory_space<hbm>>) dst(%arg9 : memref<256x64xf32, #tpu.memory_space<vmem>>)
      } else {
      }
      %add3A_213 = arith.constant 1 : i32
      %add3A_214 = arith.addi %add3A_187, %add3A_213 : i32
      %lt3A_215 = arith.constant 80 : i32
      %lt3A_216 = arith.cmpi slt, %add3A_214, %lt3A_215 : i32
      %convert_element_type3A_217 = arith.extui %lt3A_216 : i1 to i32
      %cond3A_218 = arith.constant 0 : i32
      %cond3A_219 = arith.cmpi ne, %convert_element_type3A_217, %cond3A_218 : i32
      scf.if %cond3A_219 {
        %add3A_220 = arith.constant 1 : i32
        %add3A_221 = arith.addi %add3A_187, %add3A_220 : i32
        %dma_start3A_222 = arith.constant 0 : i32
        %dma_start3A_223 = tpu.memref_slice %arg7[%add3A_221, %dma_start3A_222] : memref<80x256xi32, #tpu.memory_space<vmem>> -> memref<1x256xi32, #tpu.memory_space<vmem>>
        %dma_start3A_224 = tpu.memref_squeeze %dma_start3A_223 : memref<1x256xi32, #tpu.memory_space<vmem>> -> memref<256xi32, #tpu.memory_space<vmem>>
        %dma_start3A_225 = arith.constant 0 : i32
        %dma_start3A_226 = arith.constant 0 : i32
        %dma_start3A_227 = tpu.memref_slice %arg2[%arg0, %dma_start3A_225, %dma_start3A_226] : memref<2x10112x64xf32, #tpu.memory_space<hbm>> -> memref<1x10112x64xf32, #tpu.memory_space<hbm>>
        %dma_start3A_228 = tpu.memref_squeeze %dma_start3A_227 : memref<1x10112x64xf32, #tpu.memory_space<hbm>> -> memref<10112x64xf32, #tpu.memory_space<hbm>>
        %dma_start3A_229 = arith.constant 0 : i32
        %dma_start3A_230 = arith.constant 0 : i32
        %dma_start3A_231 = tpu.memref_slice %dma_start3A_228[%dma_start3A_229, %dma_start3A_230] : memref<10112x64xf32, #tpu.memory_space<hbm>> -> memref<10112x64xf32, #tpu.memory_space<hbm>>
        tpu.enqueue_indirect_dma source(%dma_start3A_231 : memref<10112x64xf32, #tpu.memory_space<hbm>>) target(%arg9 : memref<256x64xf32, #tpu.memory_space<vmem>>) offsets(%dma_start3A_224 : memref<256xi32, #tpu.memory_space<vmem>>) semaphore(%arg13 : memref<!tpu.dma_semaphore, #tpu.memory_space<semaphore_mem>>)
      } else {
      }
    }
    %scan3A_19 = arith.constant 26 : i32
    %dma_wait3A = arith.constant 0 : i32
    %dma_wait3A_20 = arith.constant 0 : i32
    %dma_wait3A_21 = tpu.memref_slice %arg2[%arg0, %dma_wait3A, %dma_wait3A_20] : memref<2x10112x64xf32, #tpu.memory_space<hbm>> -> memref<1x10112x64xf32, #tpu.memory_space<hbm>>
    %dma_wait3A_22 = tpu.memref_squeeze %dma_wait3A_21 : memref<1x10112x64xf32, #tpu.memory_space<hbm>> -> memref<10112x64xf32, #tpu.memory_space<hbm>>
    %dma_wait3A_23 = arith.constant 0 : i32
    %dma_wait3A_24 = arith.constant 0 : i32
    %dma_wait3A_25 = tpu.memref_slice %dma_wait3A_22[%dma_wait3A_23, %dma_wait3A_24] : memref<10112x64xf32, #tpu.memory_space<hbm>> -> memref<256x64xf32, #tpu.memory_space<hbm>>
    %dma_wait3A_26 = arith.constant 0 : i32
    %dma_wait3A_27 = arith.constant 0 : i32
    %dma_wait3A_28 = tpu.memref_slice %arg2[%arg0, %dma_wait3A_26, %dma_wait3A_27] : memref<2x10112x64xf32, #tpu.memory_space<hbm>> -> memref<1x10112x64xf32, #tpu.memory_space<hbm>>
    %dma_wait3A_29 = tpu.memref_squeeze %dma_wait3A_28 : memref<1x10112x64xf32, #tpu.memory_space<hbm>> -> memref<10112x64xf32, #tpu.memory_space<hbm>>
    %dma_wait3A_30 = arith.constant 0 : i32
    %dma_wait3A_31 = arith.constant 0 : i32
    %dma_wait3A_32 = tpu.memref_slice %dma_wait3A_29[%dma_wait3A_30, %dma_wait3A_31] : memref<10112x64xf32, #tpu.memory_space<hbm>> -> memref<256x64xf32, #tpu.memory_space<hbm>>
    tpu.wait_dma2 semaphore(%arg13 : memref<!tpu.dma_semaphore, #tpu.memory_space<semaphore_mem>>) src(%dma_wait3A_32 : memref<256x64xf32, #tpu.memory_space<hbm>>) dst(%arg9 : memref<256x64xf32, #tpu.memory_space<vmem>>)
    %dma_start3A_33 = arith.constant 78 : i32
    %dma_start3A_34 = arith.constant 0 : i32
    %dma_start3A_35 = tpu.memref_slice %arg8[%dma_start3A_33, %dma_start3A_34] : memref<80x256xi32, #tpu.memory_space<vmem>> -> memref<1x256xi32, #tpu.memory_space<vmem>>
    %dma_start3A_36 = tpu.memref_squeeze %dma_start3A_35 : memref<1x256xi32, #tpu.memory_space<vmem>> -> memref<256xi32, #tpu.memory_space<vmem>>
    %dma_start3A_37 = arith.constant 0 : i32
    %dma_start3A_38 = arith.constant 0 : i32
    %dma_start3A_39 = tpu.memref_slice %arg12[%dma_start3A_37, %dma_start3A_38] : memref<10112x64xf32, #tpu.memory_space<vmem_shared>> -> memref<10112x64xf32, #tpu.memory_space<vmem_shared>>
    tpu.enqueue_indirect_dma source(%arg9 : memref<256x64xf32, #tpu.memory_space<vmem>>) target(%dma_start3A_39 : memref<10112x64xf32, #tpu.memory_space<vmem_shared>>) offsets(%dma_start3A_36 : memref<256xi32, #tpu.memory_space<vmem>>) semaphore(%arg16 : memref<!tpu.dma_semaphore, #tpu.memory_space<semaphore_mem>>) {add = true}
    %ge3A = arith.constant 78 : i32
    %ge3A_40 = arith.constant 2 : i32
    %ge3A_41 = arith.cmpi sge, %ge3A, %ge3A_40 : i32
    %convert_element_type3A = arith.extui %ge3A_41 : i1 to i32
    %cond3A = arith.constant 0 : i32
    %cond3A_42 = arith.cmpi ne, %convert_element_type3A, %cond3A : i32
    scf.if %cond3A_42 {
      %dma_wait3A_115 = arith.constant 0 : i32
      %dma_wait3A_116 = arith.constant 0 : i32
      %dma_wait3A_117 = tpu.memref_slice %arg2[%arg0, %dma_wait3A_115, %dma_wait3A_116] : memref<2x10112x64xf32, #tpu.memory_space<hbm>> -> memref<1x10112x64xf32, #tpu.memory_space<hbm>>
      %dma_wait3A_118 = tpu.memref_squeeze %dma_wait3A_117 : memref<1x10112x64xf32, #tpu.memory_space<hbm>> -> memref<10112x64xf32, #tpu.memory_space<hbm>>
      %dma_wait3A_119 = arith.constant 0 : i32
      %dma_wait3A_120 = arith.constant 0 : i32
      %dma_wait3A_121 = tpu.memref_slice %dma_wait3A_118[%dma_wait3A_119, %dma_wait3A_120] : memref<10112x64xf32, #tpu.memory_space<hbm>> -> memref<256x64xf32, #tpu.memory_space<hbm>>
      %dma_wait3A_122 = arith.constant 0 : i32
      %dma_wait3A_123 = arith.constant 0 : i32
      %dma_wait3A_124 = tpu.memref_slice %arg2[%arg0, %dma_wait3A_122, %dma_wait3A_123] : memref<2x10112x64xf32, #tpu.memory_space<hbm>> -> memref<1x10112x64xf32, #tpu.memory_space<hbm>>
      %dma_wait3A_125 = tpu.memref_squeeze %dma_wait3A_124 : memref<1x10112x64xf32, #tpu.memory_space<hbm>> -> memref<10112x64xf32, #tpu.memory_space<hbm>>
      %dma_wait3A_126 = arith.constant 0 : i32
      %dma_wait3A_127 = arith.constant 0 : i32
      %dma_wait3A_128 = tpu.memref_slice %dma_wait3A_125[%dma_wait3A_126, %dma_wait3A_127] : memref<10112x64xf32, #tpu.memory_space<hbm>> -> memref<256x64xf32, #tpu.memory_space<hbm>>
      tpu.wait_dma2 semaphore(%arg17 : memref<!tpu.dma_semaphore, #tpu.memory_space<semaphore_mem>>) src(%dma_wait3A_128 : memref<256x64xf32, #tpu.memory_space<hbm>>) dst(%arg10 : memref<256x64xf32, #tpu.memory_space<vmem>>)
    } else {
    }
    %add3A = arith.constant 78 : i32
    %add3A_43 = arith.constant 1 : i32
    %add3A_44 = arith.addi %add3A, %add3A_43 : i32
    %lt3A = arith.constant 80 : i32
    %lt3A_45 = arith.cmpi slt, %add3A_44, %lt3A : i32
    %convert_element_type3A_46 = arith.extui %lt3A_45 : i1 to i32
    %cond3A_47 = arith.constant 78 : i32
    %cond3A_48 = arith.constant 0 : i32
    %cond3A_49 = arith.cmpi ne, %convert_element_type3A_46, %cond3A_48 : i32
    scf.if %cond3A_49 {
      %add3A_115 = arith.constant 1 : i32
      %add3A_116 = arith.addi %cond3A_47, %add3A_115 : i32
      %dma_start3A_117 = arith.constant 0 : i32
      %dma_start3A_118 = tpu.memref_slice %arg7[%add3A_116, %dma_start3A_117] : memref<80x256xi32, #tpu.memory_space<vmem>> -> memref<1x256xi32, #tpu.memory_space<vmem>>
      %dma_start3A_119 = tpu.memref_squeeze %dma_start3A_118 : memref<1x256xi32, #tpu.memory_space<vmem>> -> memref<256xi32, #tpu.memory_space<vmem>>
      %dma_start3A_120 = arith.constant 0 : i32
      %dma_start3A_121 = arith.constant 0 : i32
      %dma_start3A_122 = tpu.memref_slice %arg2[%arg0, %dma_start3A_120, %dma_start3A_121] : memref<2x10112x64xf32, #tpu.memory_space<hbm>> -> memref<1x10112x64xf32, #tpu.memory_space<hbm>>
      %dma_start3A_123 = tpu.memref_squeeze %dma_start3A_122 : memref<1x10112x64xf32, #tpu.memory_space<hbm>> -> memref<10112x64xf32, #tpu.memory_space<hbm>>
      %dma_start3A_124 = arith.constant 0 : i32
      %dma_start3A_125 = arith.constant 0 : i32
      %dma_start3A_126 = tpu.memref_slice %dma_start3A_123[%dma_start3A_124, %dma_start3A_125] : memref<10112x64xf32, #tpu.memory_space<hbm>> -> memref<10112x64xf32, #tpu.memory_space<hbm>>
      tpu.enqueue_indirect_dma source(%dma_start3A_126 : memref<10112x64xf32, #tpu.memory_space<hbm>>) target(%arg10 : memref<256x64xf32, #tpu.memory_space<vmem>>) offsets(%dma_start3A_119 : memref<256xi32, #tpu.memory_space<vmem>>) semaphore(%arg14 : memref<!tpu.dma_semaphore, #tpu.memory_space<semaphore_mem>>)
    } else {
    }
    %dma_wait3A_50 = arith.constant 0 : i32
    %dma_wait3A_51 = arith.constant 0 : i32
    %dma_wait3A_52 = tpu.memref_slice %arg2[%arg0, %dma_wait3A_50, %dma_wait3A_51] : memref<2x10112x64xf32, #tpu.memory_space<hbm>> -> memref<1x10112x64xf32, #tpu.memory_space<hbm>>
    %dma_wait3A_53 = tpu.memref_squeeze %dma_wait3A_52 : memref<1x10112x64xf32, #tpu.memory_space<hbm>> -> memref<10112x64xf32, #tpu.memory_space<hbm>>
    %dma_wait3A_54 = arith.constant 0 : i32
    %dma_wait3A_55 = arith.constant 0 : i32
    %dma_wait3A_56 = tpu.memref_slice %dma_wait3A_53[%dma_wait3A_54, %dma_wait3A_55] : memref<10112x64xf32, #tpu.memory_space<hbm>> -> memref<256x64xf32, #tpu.memory_space<hbm>>
    %dma_wait3A_57 = arith.constant 0 : i32
    %dma_wait3A_58 = arith.constant 0 : i32
    %dma_wait3A_59 = tpu.memref_slice %arg2[%arg0, %dma_wait3A_57, %dma_wait3A_58] : memref<2x10112x64xf32, #tpu.memory_space<hbm>> -> memref<1x10112x64xf32, #tpu.memory_space<hbm>>
    %dma_wait3A_60 = tpu.memref_squeeze %dma_wait3A_59 : memref<1x10112x64xf32, #tpu.memory_space<hbm>> -> memref<10112x64xf32, #tpu.memory_space<hbm>>
    %dma_wait3A_61 = arith.constant 0 : i32
    %dma_wait3A_62 = arith.constant 0 : i32
    %dma_wait3A_63 = tpu.memref_slice %dma_wait3A_60[%dma_wait3A_61, %dma_wait3A_62] : memref<10112x64xf32, #tpu.memory_space<hbm>> -> memref<256x64xf32, #tpu.memory_space<hbm>>
    tpu.wait_dma2 semaphore(%arg14 : memref<!tpu.dma_semaphore, #tpu.memory_space<semaphore_mem>>) src(%dma_wait3A_63 : memref<256x64xf32, #tpu.memory_space<hbm>>) dst(%arg10 : memref<256x64xf32, #tpu.memory_space<vmem>>)
    %dma_start3A_64 = arith.constant 79 : i32
    %dma_start3A_65 = arith.constant 0 : i32
    %dma_start3A_66 = tpu.memref_slice %arg8[%dma_start3A_64, %dma_start3A_65] : memref<80x256xi32, #tpu.memory_space<vmem>> -> memref<1x256xi32, #tpu.memory_space<vmem>>
    %dma_start3A_67 = tpu.memref_squeeze %dma_start3A_66 : memref<1x256xi32, #tpu.memory_space<vmem>> -> memref<256xi32, #tpu.memory_space<vmem>>
    %dma_start3A_68 = arith.constant 0 : i32
    %dma_start3A_69 = arith.constant 0 : i32
    %dma_start3A_70 = tpu.memref_slice %arg12[%dma_start3A_68, %dma_start3A_69] : memref<10112x64xf32, #tpu.memory_space<vmem_shared>> -> memref<10112x64xf32, #tpu.memory_space<vmem_shared>>
    tpu.enqueue_indirect_dma source(%arg10 : memref<256x64xf32, #tpu.memory_space<vmem>>) target(%dma_start3A_70 : memref<10112x64xf32, #tpu.memory_space<vmem_shared>>) offsets(%dma_start3A_67 : memref<256xi32, #tpu.memory_space<vmem>>) semaphore(%arg17 : memref<!tpu.dma_semaphore, #tpu.memory_space<semaphore_mem>>) {add = true}
    %ge3A_71 = arith.constant 79 : i32
    %ge3A_72 = arith.constant 2 : i32
    %ge3A_73 = arith.cmpi sge, %ge3A_71, %ge3A_72 : i32
    %convert_element_type3A_74 = arith.extui %ge3A_73 : i1 to i32
    %cond3A_75 = arith.constant 0 : i32
    %cond3A_76 = arith.cmpi ne, %convert_element_type3A_74, %cond3A_75 : i32
    scf.if %cond3A_76 {
      %dma_wait3A_115 = arith.constant 0 : i32
      %dma_wait3A_116 = arith.constant 0 : i32
      %dma_wait3A_117 = tpu.memref_slice %arg2[%arg0, %dma_wait3A_115, %dma_wait3A_116] : memref<2x10112x64xf32, #tpu.memory_space<hbm>> -> memref<1x10112x64xf32, #tpu.memory_space<hbm>>
      %dma_wait3A_118 = tpu.memref_squeeze %dma_wait3A_117 : memref<1x10112x64xf32, #tpu.memory_space<hbm>> -> memref<10112x64xf32, #tpu.memory_space<hbm>>
      %dma_wait3A_119 = arith.constant 0 : i32
      %dma_wait3A_120 = arith.constant 0 : i32
      %dma_wait3A_121 = tpu.memref_slice %dma_wait3A_118[%dma_wait3A_119, %dma_wait3A_120] : memref<10112x64xf32, #tpu.memory_space<hbm>> -> memref<256x64xf32, #tpu.memory_space<hbm>>
      %dma_wait3A_122 = arith.constant 0 : i32
      %dma_wait3A_123 = arith.constant 0 : i32
      %dma_wait3A_124 = tpu.memref_slice %arg2[%arg0, %dma_wait3A_122, %dma_wait3A_123] : memref<2x10112x64xf32, #tpu.memory_space<hbm>> -> memref<1x10112x64xf32, #tpu.memory_space<hbm>>
      %dma_wait3A_125 = tpu.memref_squeeze %dma_wait3A_124 : memref<1x10112x64xf32, #tpu.memory_space<hbm>> -> memref<10112x64xf32, #tpu.memory_space<hbm>>
      %dma_wait3A_126 = arith.constant 0 : i32
      %dma_wait3A_127 = arith.constant 0 : i32
      %dma_wait3A_128 = tpu.memref_slice %dma_wait3A_125[%dma_wait3A_126, %dma_wait3A_127] : memref<10112x64xf32, #tpu.memory_space<hbm>> -> memref<256x64xf32, #tpu.memory_space<hbm>>
      tpu.wait_dma2 semaphore(%arg18 : memref<!tpu.dma_semaphore, #tpu.memory_space<semaphore_mem>>) src(%dma_wait3A_128 : memref<256x64xf32, #tpu.memory_space<hbm>>) dst(%arg11 : memref<256x64xf32, #tpu.memory_space<vmem>>)
    } else {
    }
    %add3A_77 = arith.constant 79 : i32
    %add3A_78 = arith.constant 1 : i32
    %add3A_79 = arith.addi %add3A_77, %add3A_78 : i32
    %lt3A_80 = arith.constant 80 : i32
    %lt3A_81 = arith.cmpi slt, %add3A_79, %lt3A_80 : i32
    %convert_element_type3A_82 = arith.extui %lt3A_81 : i1 to i32
    %cond3A_83 = arith.constant 79 : i32
    %cond3A_84 = arith.constant 0 : i32
    %cond3A_85 = arith.cmpi ne, %convert_element_type3A_82, %cond3A_84 : i32
    scf.if %cond3A_85 {
      %add3A_115 = arith.constant 1 : i32
      %add3A_116 = arith.addi %cond3A_83, %add3A_115 : i32
      %dma_start3A_117 = arith.constant 0 : i32
      %dma_start3A_118 = tpu.memref_slice %arg7[%add3A_116, %dma_start3A_117] : memref<80x256xi32, #tpu.memory_space<vmem>> -> memref<1x256xi32, #tpu.memory_space<vmem>>
      %dma_start3A_119 = tpu.memref_squeeze %dma_start3A_118 : memref<1x256xi32, #tpu.memory_space<vmem>> -> memref<256xi32, #tpu.memory_space<vmem>>
      %dma_start3A_120 = arith.constant 0 : i32
      %dma_start3A_121 = arith.constant 0 : i32
      %dma_start3A_122 = tpu.memref_slice %arg2[%arg0, %dma_start3A_120, %dma_start3A_121] : memref<2x10112x64xf32, #tpu.memory_space<hbm>> -> memref<1x10112x64xf32, #tpu.memory_space<hbm>>
      %dma_start3A_123 = tpu.memref_squeeze %dma_start3A_122 : memref<1x10112x64xf32, #tpu.memory_space<hbm>> -> memref<10112x64xf32, #tpu.memory_space<hbm>>
      %dma_start3A_124 = arith.constant 0 : i32
      %dma_start3A_125 = arith.constant 0 : i32
      %dma_start3A_126 = tpu.memref_slice %dma_start3A_123[%dma_start3A_124, %dma_start3A_125] : memref<10112x64xf32, #tpu.memory_space<hbm>> -> memref<10112x64xf32, #tpu.memory_space<hbm>>
      tpu.enqueue_indirect_dma source(%dma_start3A_126 : memref<10112x64xf32, #tpu.memory_space<hbm>>) target(%arg11 : memref<256x64xf32, #tpu.memory_space<vmem>>) offsets(%dma_start3A_119 : memref<256xi32, #tpu.memory_space<vmem>>) semaphore(%arg15 : memref<!tpu.dma_semaphore, #tpu.memory_space<semaphore_mem>>)
    } else {
    }
    %dma_wait3A_86 = arith.constant 0 : i32
    %dma_wait3A_87 = arith.constant 0 : i32
    %dma_wait3A_88 = tpu.memref_slice %arg2[%arg0, %dma_wait3A_86, %dma_wait3A_87] : memref<2x10112x64xf32, #tpu.memory_space<hbm>> -> memref<1x10112x64xf32, #tpu.memory_space<hbm>>
    %dma_wait3A_89 = tpu.memref_squeeze %dma_wait3A_88 : memref<1x10112x64xf32, #tpu.memory_space<hbm>> -> memref<10112x64xf32, #tpu.memory_space<hbm>>
    %dma_wait3A_90 = arith.constant 0 : i32
    %dma_wait3A_91 = arith.constant 0 : i32
    %dma_wait3A_92 = tpu.memref_slice %dma_wait3A_89[%dma_wait3A_90, %dma_wait3A_91] : memref<10112x64xf32, #tpu.memory_space<hbm>> -> memref<256x64xf32, #tpu.memory_space<hbm>>
    %dma_wait3A_93 = arith.constant 0 : i32
    %dma_wait3A_94 = arith.constant 0 : i32
    %dma_wait3A_95 = tpu.memref_slice %arg2[%arg0, %dma_wait3A_93, %dma_wait3A_94] : memref<2x10112x64xf32, #tpu.memory_space<hbm>> -> memref<1x10112x64xf32, #tpu.memory_space<hbm>>
    %dma_wait3A_96 = tpu.memref_squeeze %dma_wait3A_95 : memref<1x10112x64xf32, #tpu.memory_space<hbm>> -> memref<10112x64xf32, #tpu.memory_space<hbm>>
    %dma_wait3A_97 = arith.constant 0 : i32
    %dma_wait3A_98 = arith.constant 0 : i32
    %dma_wait3A_99 = tpu.memref_slice %dma_wait3A_96[%dma_wait3A_97, %dma_wait3A_98] : memref<10112x64xf32, #tpu.memory_space<hbm>> -> memref<256x64xf32, #tpu.memory_space<hbm>>
    tpu.wait_dma2 semaphore(%arg16 : memref<!tpu.dma_semaphore, #tpu.memory_space<semaphore_mem>>) src(%dma_wait3A_99 : memref<256x64xf32, #tpu.memory_space<hbm>>) dst(%arg9 : memref<256x64xf32, #tpu.memory_space<vmem>>)
    %dma_wait3A_100 = arith.constant 0 : i32
    %dma_wait3A_101 = arith.constant 0 : i32
    %dma_wait3A_102 = tpu.memref_slice %arg2[%arg0, %dma_wait3A_100, %dma_wait3A_101] : memref<2x10112x64xf32, #tpu.memory_space<hbm>> -> memref<1x10112x64xf32, #tpu.memory_space<hbm>>
    %dma_wait3A_103 = tpu.memref_squeeze %dma_wait3A_102 : memref<1x10112x64xf32, #tpu.memory_space<hbm>> -> memref<10112x64xf32, #tpu.memory_space<hbm>>
    %dma_wait3A_104 = arith.constant 0 : i32
    %dma_wait3A_105 = arith.constant 0 : i32
    %dma_wait3A_106 = tpu.memref_slice %dma_wait3A_103[%dma_wait3A_104, %dma_wait3A_105] : memref<10112x64xf32, #tpu.memory_space<hbm>> -> memref<256x64xf32, #tpu.memory_space<hbm>>
    %dma_wait3A_107 = arith.constant 0 : i32
    %dma_wait3A_108 = arith.constant 0 : i32
    %dma_wait3A_109 = tpu.memref_slice %arg2[%arg0, %dma_wait3A_107, %dma_wait3A_108] : memref<2x10112x64xf32, #tpu.memory_space<hbm>> -> memref<1x10112x64xf32, #tpu.memory_space<hbm>>
    %dma_wait3A_110 = tpu.memref_squeeze %dma_wait3A_109 : memref<1x10112x64xf32, #tpu.memory_space<hbm>> -> memref<10112x64xf32, #tpu.memory_space<hbm>>
    %dma_wait3A_111 = arith.constant 0 : i32
    %dma_wait3A_112 = arith.constant 0 : i32
    %dma_wait3A_113 = tpu.memref_slice %dma_wait3A_110[%dma_wait3A_111, %dma_wait3A_112] : memref<10112x64xf32, #tpu.memory_space<hbm>> -> memref<256x64xf32, #tpu.memory_space<hbm>>
    tpu.wait_dma2 semaphore(%arg17 : memref<!tpu.dma_semaphore, #tpu.memory_space<semaphore_mem>>) src(%dma_wait3A_113 : memref<256x64xf32, #tpu.memory_space<hbm>>) dst(%arg10 : memref<256x64xf32, #tpu.memory_space<vmem>>)
    %barrier3A_114 = arith.constant 0 : index
    tpu.barrier barrier_id(%barrier3A_114)
    "tpu.region"() ({
      %run_scoped3A = tpu.sem_alloc : memref<!tpu.dma_semaphore, #tpu.memory_space<semaphore_mem>>
      %dma_start3A_115 = arith.constant 0 : i32
      %dma_start3A_116 = tpu.memref_slice %arg6[%arg0, %mul3A_0, %dma_start3A_115] : memref<2x10112x64xf32, #tpu.memory_space<hbm>> -> memref<1x632x64xf32, #tpu.memory_space<hbm>>
      %dma_start3A_117 = tpu.memref_squeeze %dma_start3A_116 : memref<1x632x64xf32, #tpu.memory_space<hbm>> -> memref<632x64xf32, #tpu.memory_space<hbm>>
      %dma_start3A_118 = arith.constant 0 : i32
      %dma_start3A_119 = tpu.memref_slice %arg12[%mul3A_0, %dma_start3A_118] : memref<10112x64xf32, #tpu.memory_space<vmem_shared>> -> memref<632x64xf32, #tpu.memory_space<vmem_shared>>
      tpu.enqueue_dma source(%dma_start3A_119 : memref<632x64xf32, #tpu.memory_space<vmem_shared>>) target(%dma_start3A_117 : memref<632x64xf32, #tpu.memory_space<hbm>>) target_semaphore(%run_scoped3A : memref<!tpu.dma_semaphore, #tpu.memory_space<semaphore_mem>>)
      %dma_wait3A_120 = arith.constant 0 : i32
      %dma_wait3A_121 = tpu.memref_slice %arg6[%arg0, %mul3A_0, %dma_wait3A_120] : memref<2x10112x64xf32, #tpu.memory_space<hbm>> -> memref<1x632x64xf32, #tpu.memory_space<hbm>>
      %dma_wait3A_122 = tpu.memref_squeeze %dma_wait3A_121 : memref<1x632x64xf32, #tpu.memory_space<hbm>> -> memref<632x64xf32, #tpu.memory_space<hbm>>
      %dma_wait3A_123 = arith.constant 0 : i32
      %dma_wait3A_124 = tpu.memref_slice %arg12[%mul3A_0, %dma_wait3A_123] : memref<10112x64xf32, #tpu.memory_space<vmem_shared>> -> memref<632x64xf32, #tpu.memory_space<vmem_shared>>
      tpu.wait_dma2 semaphore(%run_scoped3A : memref<!tpu.dma_semaphore, #tpu.memory_space<semaphore_mem>>) src(%dma_wait3A_124 : memref<632x64xf32, #tpu.memory_space<vmem_shared>>) dst(%dma_wait3A_122 : memref<632x64xf32, #tpu.memory_space<hbm>>)
      tpu.yield
    }) : () -> ()
    return
  }
}

#map = affine_map<(d0, d1) -> (0, 0)>
#map1 = affine_map<(d0, d1) -> (0, 0, 0)>
module attributes {stable_mosaic.version = 14 : i64} {
  func.func @_deg_kernel(%arg0: i32, %arg1: i32, %arg2: memref<2560x128xi32, #tpu.memory_space<hbm>>, %arg3: memref<10112x16xf32, #tpu.memory_space<hbm>>, %arg4: memref<128x16xf32, #tpu.memory_space<hbm>>, %arg5: memref<2x10112x16xf32, #tpu.memory_space<hbm>>, %arg6: memref<80x128xi32, #tpu.memory_space<vmem>>, %arg7: memref<128x16xf32, #tpu.memory_space<vmem>>, %arg8: memref<10112x16xf32, #tpu.memory_space<vmem_shared>>) attributes {dimension_semantics = [#tpu.dimension_semantics<core_parallel>, #tpu.dimension_semantics<subcore_parallel>], iteration_bounds = array<i64: 2, 16>, scalar_prefetch = 0 : i64, scratch_operands = 3 : i64, tpu.core_type = #tpu.core_type<sc_vector_subcore>, window_params = [{transform_indices = #map}, {transform_indices = #map}, {transform_indices = #map}, {transform_indices = #map1}]} {
    %mul3A = arith.constant 632 : i32
    %mul3A_0 = arith.muli %arg1, %mul3A : i32
    "tpu.region"() ({
      %run_scoped3A = tpu.sem_alloc : memref<!tpu.dma_semaphore, #tpu.memory_space<semaphore_mem>>
      %dma_start3A = arith.constant 0 : i32
      %dma_start3A_11 = tpu.memref_slice %arg8[%mul3A_0, %dma_start3A] : memref<10112x16xf32, #tpu.memory_space<vmem_shared>> -> memref<632x16xf32, #tpu.memory_space<vmem_shared>>
      %dma_start3A_12 = arith.constant 0 : i32
      %dma_start3A_13 = tpu.memref_slice %arg3[%mul3A_0, %dma_start3A_12] : memref<10112x16xf32, #tpu.memory_space<hbm>> -> memref<632x16xf32, #tpu.memory_space<hbm>>
      tpu.enqueue_dma source(%dma_start3A_13 : memref<632x16xf32, #tpu.memory_space<hbm>>) target(%dma_start3A_11 : memref<632x16xf32, #tpu.memory_space<vmem_shared>>) target_semaphore(%run_scoped3A : memref<!tpu.dma_semaphore, #tpu.memory_space<semaphore_mem>>)
      %dma_wait3A = arith.constant 0 : i32
      %dma_wait3A_14 = tpu.memref_slice %arg8[%mul3A_0, %dma_wait3A] : memref<10112x16xf32, #tpu.memory_space<vmem_shared>> -> memref<632x16xf32, #tpu.memory_space<vmem_shared>>
      %dma_wait3A_15 = arith.constant 0 : i32
      %dma_wait3A_16 = tpu.memref_slice %arg3[%mul3A_0, %dma_wait3A_15] : memref<10112x16xf32, #tpu.memory_space<hbm>> -> memref<632x16xf32, #tpu.memory_space<hbm>>
      tpu.wait_dma2 semaphore(%run_scoped3A : memref<!tpu.dma_semaphore, #tpu.memory_space<semaphore_mem>>) src(%dma_wait3A_16 : memref<632x16xf32, #tpu.memory_space<hbm>>) dst(%dma_wait3A_14 : memref<632x16xf32, #tpu.memory_space<vmem_shared>>)
      tpu.yield
    }) : () -> ()
    "tpu.region"() ({
      %run_scoped3A = tpu.sem_alloc : memref<!tpu.dma_semaphore, #tpu.memory_space<semaphore_mem>>
      tpu.enqueue_dma source(%arg4 : memref<128x16xf32, #tpu.memory_space<hbm>>) target(%arg7 : memref<128x16xf32, #tpu.memory_space<vmem>>) target_semaphore(%run_scoped3A : memref<!tpu.dma_semaphore, #tpu.memory_space<semaphore_mem>>)
      tpu.wait_dma2 semaphore(%run_scoped3A : memref<!tpu.dma_semaphore, #tpu.memory_space<semaphore_mem>>) src(%arg4 : memref<128x16xf32, #tpu.memory_space<hbm>>) dst(%arg7 : memref<128x16xf32, #tpu.memory_space<vmem>>)
      tpu.yield
    }) : () -> ()
    %mul3A_1 = arith.constant 2 : i32
    %mul3A_2 = arith.muli %arg1, %mul3A_1 : i32
    %add3A = arith.addi %mul3A_2, %arg0 : i32
    %mul3A_3 = arith.constant 80 : i32
    %mul3A_4 = arith.muli %add3A, %mul3A_3 : i32
    "tpu.region"() ({
      %run_scoped3A = tpu.sem_alloc : memref<!tpu.dma_semaphore, #tpu.memory_space<semaphore_mem>>
      %dma_start3A = arith.constant 0 : i32
      %dma_start3A_11 = tpu.memref_slice %arg2[%mul3A_4, %dma_start3A] : memref<2560x128xi32, #tpu.memory_space<hbm>> -> memref<80x128xi32, #tpu.memory_space<hbm>>
      %dma_start3A_12 = arith.constant 0 : i32
      %dma_start3A_13 = tpu.memref_slice %arg2[%mul3A_4, %dma_start3A_12] : memref<2560x128xi32, #tpu.memory_space<hbm>> -> memref<80x128xi32, #tpu.memory_space<hbm>>
      tpu.enqueue_dma source(%dma_start3A_13 : memref<80x128xi32, #tpu.memory_space<hbm>>) target(%arg6 : memref<80x128xi32, #tpu.memory_space<vmem>>) target_semaphore(%run_scoped3A : memref<!tpu.dma_semaphore, #tpu.memory_space<semaphore_mem>>)
      %dma_wait3A = arith.constant 0 : i32
      %dma_wait3A_14 = tpu.memref_slice %arg2[%mul3A_4, %dma_wait3A] : memref<2560x128xi32, #tpu.memory_space<hbm>> -> memref<80x128xi32, #tpu.memory_space<hbm>>
      %dma_wait3A_15 = arith.constant 0 : i32
      %dma_wait3A_16 = tpu.memref_slice %arg2[%mul3A_4, %dma_wait3A_15] : memref<2560x128xi32, #tpu.memory_space<hbm>> -> memref<80x128xi32, #tpu.memory_space<hbm>>
      tpu.wait_dma2 semaphore(%run_scoped3A : memref<!tpu.dma_semaphore, #tpu.memory_space<semaphore_mem>>) src(%dma_wait3A_16 : memref<80x128xi32, #tpu.memory_space<hbm>>) dst(%arg6 : memref<80x128xi32, #tpu.memory_space<vmem>>)
      tpu.yield
    }) : () -> ()
    %barrier3A = arith.constant 0 : index
    tpu.barrier barrier_id(%barrier3A)
    %scan3A = arith.constant 0 : i32
    %scan3A_5 = arith.constant 0 : i32
    %scan3A_6 = arith.constant 80 : i32
    %scan3A_7 = arith.addi %scan3A_5, %scan3A_6 : i32
    %scan3A_8 = arith.constant 1 : i32
    scf.for %scan3A_11 = %scan3A_5 to %scan3A_7 step %scan3A_8  : i32 {
      "tpu.region"() ({
        %run_scoped3A = tpu.sem_alloc : memref<!tpu.dma_semaphore, #tpu.memory_space<semaphore_mem>>
        %dma_start3A = arith.constant 0 : i32
        %dma_start3A_12 = tpu.memref_slice %arg6[%scan3A_11, %dma_start3A] : memref<80x128xi32, #tpu.memory_space<vmem>> -> memref<1x128xi32, #tpu.memory_space<vmem>>
        %dma_start3A_13 = tpu.memref_squeeze %dma_start3A_12 : memref<1x128xi32, #tpu.memory_space<vmem>> -> memref<128xi32, #tpu.memory_space<vmem>>
        %dma_start3A_14 = arith.constant 0 : i32
        %dma_start3A_15 = arith.constant 0 : i32
        %dma_start3A_16 = tpu.memref_slice %arg8[%dma_start3A_14, %dma_start3A_15] : memref<10112x16xf32, #tpu.memory_space<vmem_shared>> -> memref<10112x16xf32, #tpu.memory_space<vmem_shared>>
        tpu.enqueue_indirect_dma source(%arg7 : memref<128x16xf32, #tpu.memory_space<vmem>>) target(%dma_start3A_16 : memref<10112x16xf32, #tpu.memory_space<vmem_shared>>) offsets(%dma_start3A_13 : memref<128xi32, #tpu.memory_space<vmem>>) semaphore(%run_scoped3A : memref<!tpu.dma_semaphore, #tpu.memory_space<semaphore_mem>>) {add = true}
        %dma_wait3A = arith.constant 0 : i32
        %dma_wait3A_17 = tpu.memref_slice %arg6[%scan3A_11, %dma_wait3A] : memref<80x128xi32, #tpu.memory_space<vmem>> -> memref<1x128xi32, #tpu.memory_space<vmem>>
        %dma_wait3A_18 = tpu.memref_squeeze %dma_wait3A_17 : memref<1x128xi32, #tpu.memory_space<vmem>> -> memref<128xi32, #tpu.memory_space<vmem>>
        %dma_wait3A_19 = arith.constant 0 : i32
        %dma_wait3A_20 = arith.constant 0 : i32
        %dma_wait3A_21 = tpu.memref_slice %arg8[%dma_wait3A_19, %dma_wait3A_20] : memref<10112x16xf32, #tpu.memory_space<vmem_shared>> -> memref<10112x16xf32, #tpu.memory_space<vmem_shared>>
        tpu.wait_indirect_dma semaphore(%run_scoped3A : memref<!tpu.dma_semaphore, #tpu.memory_space<semaphore_mem>>) src(%arg7 : memref<128x16xf32, #tpu.memory_space<vmem>>) dst(%dma_wait3A_21 : memref<10112x16xf32, #tpu.memory_space<vmem_shared>>)
        tpu.yield
      }) : () -> ()
    }
    %scan3A_9 = arith.constant 80 : i32
    %barrier3A_10 = arith.constant 0 : index
    tpu.barrier barrier_id(%barrier3A_10)
    "tpu.region"() ({
      %run_scoped3A = tpu.sem_alloc : memref<!tpu.dma_semaphore, #tpu.memory_space<semaphore_mem>>
      %dma_start3A = arith.constant 0 : i32
      %dma_start3A_11 = tpu.memref_slice %arg5[%arg0, %mul3A_0, %dma_start3A] : memref<2x10112x16xf32, #tpu.memory_space<hbm>> -> memref<1x632x16xf32, #tpu.memory_space<hbm>>
      %dma_start3A_12 = tpu.memref_squeeze %dma_start3A_11 : memref<1x632x16xf32, #tpu.memory_space<hbm>> -> memref<632x16xf32, #tpu.memory_space<hbm>>
      %dma_start3A_13 = arith.constant 0 : i32
      %dma_start3A_14 = tpu.memref_slice %arg8[%mul3A_0, %dma_start3A_13] : memref<10112x16xf32, #tpu.memory_space<vmem_shared>> -> memref<632x16xf32, #tpu.memory_space<vmem_shared>>
      tpu.enqueue_dma source(%dma_start3A_14 : memref<632x16xf32, #tpu.memory_space<vmem_shared>>) target(%dma_start3A_12 : memref<632x16xf32, #tpu.memory_space<hbm>>) target_semaphore(%run_scoped3A : memref<!tpu.dma_semaphore, #tpu.memory_space<semaphore_mem>>)
      %dma_wait3A = arith.constant 0 : i32
      %dma_wait3A_15 = tpu.memref_slice %arg5[%arg0, %mul3A_0, %dma_wait3A] : memref<2x10112x16xf32, #tpu.memory_space<hbm>> -> memref<1x632x16xf32, #tpu.memory_space<hbm>>
      %dma_wait3A_16 = tpu.memref_squeeze %dma_wait3A_15 : memref<1x632x16xf32, #tpu.memory_space<hbm>> -> memref<632x16xf32, #tpu.memory_space<hbm>>
      %dma_wait3A_17 = arith.constant 0 : i32
      %dma_wait3A_18 = tpu.memref_slice %arg8[%mul3A_0, %dma_wait3A_17] : memref<10112x16xf32, #tpu.memory_space<vmem_shared>> -> memref<632x16xf32, #tpu.memory_space<vmem_shared>>
      tpu.wait_dma2 semaphore(%run_scoped3A : memref<!tpu.dma_semaphore, #tpu.memory_space<semaphore_mem>>) src(%dma_wait3A_18 : memref<632x16xf32, #tpu.memory_space<vmem_shared>>) dst(%dma_wait3A_16 : memref<632x16xf32, #tpu.memory_space<hbm>>)
      tpu.yield
    }) : () -> ()
    return
  }
}

#map = affine_map<(d0, d1) -> (0, 0, 0)>
#map1 = affine_map<(d0, d1) -> (0, 0)>
module attributes {stable_mosaic.version = 14 : i64} {
  func.func @_prop_kernel(%arg0: i32, %arg1: i32, %arg2: memref<2x10112x64xf32, #tpu.memory_space<hbm>>, %arg3: memref<1280x256xi32, #tpu.memory_space<hbm>>, %arg4: memref<1280x256xi32, #tpu.memory_space<hbm>>, %arg5: memref<10112x64xf32, #tpu.memory_space<hbm>>, %arg6: memref<2x10112x64xf32, #tpu.memory_space<hbm>>, %arg7: memref<80x256xi32, #tpu.memory_space<vmem>>, %arg8: memref<80x256xi32, #tpu.memory_space<vmem>>, %arg9: memref<256x64xf32, #tpu.memory_space<vmem>>, %arg10: memref<256x64xf32, #tpu.memory_space<vmem>>, %arg11: memref<256x64xf32, #tpu.memory_space<vmem>>, %arg12: memref<10112x64xf32, #tpu.memory_space<vmem_shared>>, %arg13: memref<!tpu.dma_semaphore, #tpu.memory_space<semaphore_mem>>, %arg14: memref<!tpu.dma_semaphore, #tpu.memory_space<semaphore_mem>>, %arg15: memref<!tpu.dma_semaphore, #tpu.memory_space<semaphore_mem>>, %arg16: memref<!tpu.dma_semaphore, #tpu.memory_space<semaphore_mem>>, %arg17: memref<!tpu.dma_semaphore, #tpu.memory_space<semaphore_mem>>, %arg18: memref<!tpu.dma_semaphore, #tpu.memory_space<semaphore_mem>>) attributes {dimension_semantics = [#tpu.dimension_semantics<core_parallel>, #tpu.dimension_semantics<subcore_parallel>], iteration_bounds = array<i64: 2, 16>, scalar_prefetch = 0 : i64, scratch_operands = 12 : i64, tpu.core_type = #tpu.core_type<sc_vector_subcore>, window_params = [{transform_indices = #map}, {transform_indices = #map1}, {transform_indices = #map1}, {transform_indices = #map1}, {transform_indices = #map}]} {
    %mul3A = arith.constant 632 : i32
    %mul3A_0 = arith.muli %arg1, %mul3A : i32
    "tpu.region"() ({
      %run_scoped3A = tpu.sem_alloc : memref<!tpu.dma_semaphore, #tpu.memory_space<semaphore_mem>>
      %dma_start3A_115 = arith.constant 0 : i32
      %dma_start3A_116 = tpu.memref_slice %arg12[%mul3A_0, %dma_start3A_115] : memref<10112x64xf32, #tpu.memory_space<vmem_shared>> -> memref<632x64xf32, #tpu.memory_space<vmem_shared>>
      %dma_start3A_117 = arith.constant 0 : i32
      %dma_start3A_118 = tpu.memref_slice %arg5[%mul3A_0, %dma_start3A_117] : memref<10112x64xf32, #tpu.memory_space<hbm>> -> memref<632x64xf32, #tpu.memory_space<hbm>>
      tpu.enqueue_dma source(%dma_start3A_118 : memref<632x64xf32, #tpu.memory_space<hbm>>) target(%dma_start3A_116 : memref<632x64xf32, #tpu.memory_space<vmem_shared>>) target_semaphore(%run_scoped3A : memref<!tpu.dma_semaphore, #tpu.memory_space<semaphore_mem>>)
      %dma_wait3A_119 = arith.constant 0 : i32
      %dma_wait3A_120 = tpu.memref_slice %arg12[%mul3A_0, %dma_wait3A_119] : memref<10112x64xf32, #tpu.memory_space<vmem_shared>> -> memref<632x64xf32, #tpu.memory_space<vmem_shared>>
      %dma_wait3A_121 = arith.constant 0 : i32
      %dma_wait3A_122 = tpu.memref_slice %arg5[%mul3A_0, %dma_wait3A_121] : memref<10112x64xf32, #tpu.memory_space<hbm>> -> memref<632x64xf32, #tpu.memory_space<hbm>>
      tpu.wait_dma2 semaphore(%run_scoped3A : memref<!tpu.dma_semaphore, #tpu.memory_space<semaphore_mem>>) src(%dma_wait3A_122 : memref<632x64xf32, #tpu.memory_space<hbm>>) dst(%dma_wait3A_120 : memref<632x64xf32, #tpu.memory_space<vmem_shared>>)
      tpu.yield
    }) : () -> ()
    %mul3A_1 = arith.constant 80 : i32
    %mul3A_2 = arith.muli %arg1, %mul3A_1 : i32
    "tpu.region"() ({
      %run_scoped3A = tpu.sem_alloc : memref<!tpu.dma_semaphore, #tpu.memory_space<semaphore_mem>>
      %dma_start3A_115 = arith.constant 0 : i32
      %dma_start3A_116 = tpu.memref_slice %arg3[%mul3A_2, %dma_start3A_115] : memref<1280x256xi32, #tpu.memory_space<hbm>> -> memref<80x256xi32, #tpu.memory_space<hbm>>
      %dma_start3A_117 = arith.constant 0 : i32
      %dma_start3A_118 = tpu.memref_slice %arg3[%mul3A_2, %dma_start3A_117] : memref<1280x256xi32, #tpu.memory_space<hbm>> -> memref<80x256xi32, #tpu.memory_space<hbm>>
      tpu.enqueue_dma source(%dma_start3A_118 : memref<80x256xi32, #tpu.memory_space<hbm>>) target(%arg7 : memref<80x256xi32, #tpu.memory_space<vmem>>) target_semaphore(%run_scoped3A : memref<!tpu.dma_semaphore, #tpu.memory_space<semaphore_mem>>)
      %dma_wait3A_119 = arith.constant 0 : i32
      %dma_wait3A_120 = tpu.memref_slice %arg3[%mul3A_2, %dma_wait3A_119] : memref<1280x256xi32, #tpu.memory_space<hbm>> -> memref<80x256xi32, #tpu.memory_space<hbm>>
      %dma_wait3A_121 = arith.constant 0 : i32
      %dma_wait3A_122 = tpu.memref_slice %arg3[%mul3A_2, %dma_wait3A_121] : memref<1280x256xi32, #tpu.memory_space<hbm>> -> memref<80x256xi32, #tpu.memory_space<hbm>>
      tpu.wait_dma2 semaphore(%run_scoped3A : memref<!tpu.dma_semaphore, #tpu.memory_space<semaphore_mem>>) src(%dma_wait3A_122 : memref<80x256xi32, #tpu.memory_space<hbm>>) dst(%arg7 : memref<80x256xi32, #tpu.memory_space<vmem>>)
      tpu.yield
    }) : () -> ()
    %mul3A_3 = arith.constant 80 : i32
    %mul3A_4 = arith.muli %arg1, %mul3A_3 : i32
    "tpu.region"() ({
      %run_scoped3A = tpu.sem_alloc : memref<!tpu.dma_semaphore, #tpu.memory_space<semaphore_mem>>
      %dma_start3A_115 = arith.constant 0 : i32
      %dma_start3A_116 = tpu.memref_slice %arg4[%mul3A_4, %dma_start3A_115] : memref<1280x256xi32, #tpu.memory_space<hbm>> -> memref<80x256xi32, #tpu.memory_space<hbm>>
      %dma_start3A_117 = arith.constant 0 : i32
      %dma_start3A_118 = tpu.memref_slice %arg4[%mul3A_4, %dma_start3A_117] : memref<1280x256xi32, #tpu.memory_space<hbm>> -> memref<80x256xi32, #tpu.memory_space<hbm>>
      tpu.enqueue_dma source(%dma_start3A_118 : memref<80x256xi32, #tpu.memory_space<hbm>>) target(%arg8 : memref<80x256xi32, #tpu.memory_space<vmem>>) target_semaphore(%run_scoped3A : memref<!tpu.dma_semaphore, #tpu.memory_space<semaphore_mem>>)
      %dma_wait3A_119 = arith.constant 0 : i32
      %dma_wait3A_120 = tpu.memref_slice %arg4[%mul3A_4, %dma_wait3A_119] : memref<1280x256xi32, #tpu.memory_space<hbm>> -> memref<80x256xi32, #tpu.memory_space<hbm>>
      %dma_wait3A_121 = arith.constant 0 : i32
      %dma_wait3A_122 = tpu.memref_slice %arg4[%mul3A_4, %dma_wait3A_121] : memref<1280x256xi32, #tpu.memory_space<hbm>> -> memref<80x256xi32, #tpu.memory_space<hbm>>
      tpu.wait_dma2 semaphore(%run_scoped3A : memref<!tpu.dma_semaphore, #tpu.memory_space<semaphore_mem>>) src(%dma_wait3A_122 : memref<80x256xi32, #tpu.memory_space<hbm>>) dst(%arg8 : memref<80x256xi32, #tpu.memory_space<vmem>>)
      tpu.yield
    }) : () -> ()
    %barrier3A = arith.constant 0 : index
    tpu.barrier barrier_id(%barrier3A)
    %dma_start3A = arith.constant 0 : i32
    %dma_start3A_5 = arith.constant 0 : i32
    %dma_start3A_6 = tpu.memref_slice %arg7[%dma_start3A, %dma_start3A_5] : memref<80x256xi32, #tpu.memory_space<vmem>> -> memref<1x256xi32, #tpu.memory_space<vmem>>
    %dma_start3A_7 = tpu.memref_squeeze %dma_start3A_6 : memref<1x256xi32, #tpu.memory_space<vmem>> -> memref<256xi32, #tpu.memory_space<vmem>>
    %dma_start3A_8 = arith.constant 0 : i32
    %dma_start3A_9 = arith.constant 0 : i32
    %dma_start3A_10 = tpu.memref_slice %arg2[%arg0, %dma_start3A_8, %dma_start3A_9] : memref<2x10112x64xf32, #tpu.memory_space<hbm>> -> memref<1x10112x64xf32, #tpu.memory_space<hbm>>
    %dma_start3A_11 = tpu.memref_squeeze %dma_start3A_10 : memref<1x10112x64xf32, #tpu.memory_space<hbm>> -> memref<10112x64xf32, #tpu.memory_space<hbm>>
    %dma_start3A_12 = arith.constant 0 : i32
    %dma_start3A_13 = arith.constant 0 : i32
    %dma_start3A_14 = tpu.memref_slice %dma_start3A_11[%dma_start3A_12, %dma_start3A_13] : memref<10112x64xf32, #tpu.memory_space<hbm>> -> memref<10112x64xf32, #tpu.memory_space<hbm>>
    tpu.enqueue_indirect_dma source(%dma_start3A_14 : memref<10112x64xf32, #tpu.memory_space<hbm>>) target(%arg9 : memref<256x64xf32, #tpu.memory_space<vmem>>) offsets(%dma_start3A_7 : memref<256xi32, #tpu.memory_space<vmem>>) semaphore(%arg13 : memref<!tpu.dma_semaphore, #tpu.memory_space<semaphore_mem>>)
    %scan3A = arith.constant 0 : i32
    %scan3A_15 = arith.constant 0 : i32
    %scan3A_16 = arith.constant 26 : i32
    %scan3A_17 = arith.addi %scan3A_15, %scan3A_16 : i32
    %scan3A_18 = arith.constant 1 : i32
    scf.for %scan3A_115 = %scan3A_15 to %scan3A_17 step %scan3A_18  : i32 {
      %mul3A_116 = arith.constant 3 : i32
      %mul3A_117 = arith.muli %mul3A_116, %scan3A_115 : i32
      %add3A_118 = arith.constant 0 : i32
      %add3A_119 = arith.addi %mul3A_117, %add3A_118 : i32
      %dma_wait3A_120 = arith.constant 0 : i32
      %dma_wait3A_121 = arith.constant 0 : i32
      %dma_wait3A_122 = tpu.memref_slice %arg2[%arg0, %dma_wait3A_120, %dma_wait3A_121] : memref<2x10112x64xf32, #tpu.memory_space<hbm>> -> memref<1x10112x64xf32, #tpu.memory_space<hbm>>
      %dma_wait3A_123 = tpu.memref_squeeze %dma_wait3A_122 : memref<1x10112x64xf32, #tpu.memory_space<hbm>> -> memref<10112x64xf32, #tpu.memory_space<hbm>>
      %dma_wait3A_124 = arith.constant 0 : i32
      %dma_wait3A_125 = arith.constant 0 : i32
      %dma_wait3A_126 = tpu.memref_slice %dma_wait3A_123[%dma_wait3A_124, %dma_wait3A_125] : memref<10112x64xf32, #tpu.memory_space<hbm>> -> memref<256x64xf32, #tpu.memory_space<hbm>>
      %dma_wait3A_127 = arith.constant 0 : i32
      %dma_wait3A_128 = arith.constant 0 : i32
      %dma_wait3A_129 = tpu.memref_slice %arg2[%arg0, %dma_wait3A_127, %dma_wait3A_128] : memref<2x10112x64xf32, #tpu.memory_space<hbm>> -> memref<1x10112x64xf32, #tpu.memory_space<hbm>>
      %dma_wait3A_130 = tpu.memref_squeeze %dma_wait3A_129 : memref<1x10112x64xf32, #tpu.memory_space<hbm>> -> memref<10112x64xf32, #tpu.memory_space<hbm>>
      %dma_wait3A_131 = arith.constant 0 : i32
      %dma_wait3A_132 = arith.constant 0 : i32
      %dma_wait3A_133 = tpu.memref_slice %dma_wait3A_130[%dma_wait3A_131, %dma_wait3A_132] : memref<10112x64xf32, #tpu.memory_space<hbm>> -> memref<256x64xf32, #tpu.memory_space<hbm>>
      tpu.wait_dma2 semaphore(%arg13 : memref<!tpu.dma_semaphore, #tpu.memory_space<semaphore_mem>>) src(%dma_wait3A_133 : memref<256x64xf32, #tpu.memory_space<hbm>>) dst(%arg9 : memref<256x64xf32, #tpu.memory_space<vmem>>)
      %dma_start3A_134 = arith.constant 0 : i32
      %dma_start3A_135 = tpu.memref_slice %arg8[%add3A_119, %dma_start3A_134] : memref<80x256xi32, #tpu.memory_space<vmem>> -> memref<1x256xi32, #tpu.memory_space<vmem>>
      %dma_start3A_136 = tpu.memref_squeeze %dma_start3A_135 : memref<1x256xi32, #tpu.memory_space<vmem>> -> memref<256xi32, #tpu.memory_space<vmem>>
      %dma_start3A_137 = arith.constant 0 : i32
      %dma_start3A_138 = arith.constant 0 : i32
      %dma_start3A_139 = tpu.memref_slice %arg12[%dma_start3A_137, %dma_start3A_138] : memref<10112x64xf32, #tpu.memory_space<vmem_shared>> -> memref<10112x64xf32, #tpu.memory_space<vmem_shared>>
      tpu.enqueue_indirect_dma source(%arg9 : memref<256x64xf32, #tpu.memory_space<vmem>>) target(%dma_start3A_139 : memref<10112x64xf32, #tpu.memory_space<vmem_shared>>) offsets(%dma_start3A_136 : memref<256xi32, #tpu.memory_space<vmem>>) semaphore(%arg16 : memref<!tpu.dma_semaphore, #tpu.memory_space<semaphore_mem>>) {add = true}
      %ge3A_140 = arith.constant 2 : i32
      %ge3A_141 = arith.cmpi sge, %add3A_119, %ge3A_140 : i32
      %convert_element_type3A_142 = arith.extui %ge3A_141 : i1 to i32
      %cond3A_143 = arith.constant 0 : i32
      %cond3A_144 = arith.cmpi ne, %convert_element_type3A_142, %cond3A_143 : i32
      scf.if %cond3A_144 {
        %dma_wait3A_220 = arith.constant 0 : i32
        %dma_wait3A_221 = arith.constant 0 : i32
        %dma_wait3A_222 = tpu.memref_slice %arg2[%arg0, %dma_wait3A_220, %dma_wait3A_221] : memref<2x10112x64xf32, #tpu.memory_space<hbm>> -> memref<1x10112x64xf32, #tpu.memory_space<hbm>>
        %dma_wait3A_223 = tpu.memref_squeeze %dma_wait3A_222 : memref<1x10112x64xf32, #tpu.memory_space<hbm>> -> memref<10112x64xf32, #tpu.memory_space<hbm>>
        %dma_wait3A_224 = arith.constant 0 : i32
        %dma_wait3A_225 = arith.constant 0 : i32
        %dma_wait3A_226 = tpu.memref_slice %dma_wait3A_223[%dma_wait3A_224, %dma_wait3A_225] : memref<10112x64xf32, #tpu.memory_space<hbm>> -> memref<256x64xf32, #tpu.memory_space<hbm>>
        %dma_wait3A_227 = arith.constant 0 : i32
        %dma_wait3A_228 = arith.constant 0 : i32
        %dma_wait3A_229 = tpu.memref_slice %arg2[%arg0, %dma_wait3A_227, %dma_wait3A_228] : memref<2x10112x64xf32, #tpu.memory_space<hbm>> -> memref<1x10112x64xf32, #tpu.memory_space<hbm>>
        %dma_wait3A_230 = tpu.memref_squeeze %dma_wait3A_229 : memref<1x10112x64xf32, #tpu.memory_space<hbm>> -> memref<10112x64xf32, #tpu.memory_space<hbm>>
        %dma_wait3A_231 = arith.constant 0 : i32
        %dma_wait3A_232 = arith.constant 0 : i32
        %dma_wait3A_233 = tpu.memref_slice %dma_wait3A_230[%dma_wait3A_231, %dma_wait3A_232] : memref<10112x64xf32, #tpu.memory_space<hbm>> -> memref<256x64xf32, #tpu.memory_space<hbm>>
        tpu.wait_dma2 semaphore(%arg17 : memref<!tpu.dma_semaphore, #tpu.memory_space<semaphore_mem>>) src(%dma_wait3A_233 : memref<256x64xf32, #tpu.memory_space<hbm>>) dst(%arg10 : memref<256x64xf32, #tpu.memory_space<vmem>>)
      } else {
      }
      %add3A_145 = arith.constant 1 : i32
      %add3A_146 = arith.addi %add3A_119, %add3A_145 : i32
      %lt3A_147 = arith.constant 80 : i32
      %lt3A_148 = arith.cmpi slt, %add3A_146, %lt3A_147 : i32
      %convert_element_type3A_149 = arith.extui %lt3A_148 : i1 to i32
      %cond3A_150 = arith.constant 0 : i32
      %cond3A_151 = arith.cmpi ne, %convert_element_type3A_149, %cond3A_150 : i32
      scf.if %cond3A_151 {
        %add3A_220 = arith.constant 1 : i32
        %add3A_221 = arith.addi %add3A_119, %add3A_220 : i32
        %dma_start3A_222 = arith.constant 0 : i32
        %dma_start3A_223 = tpu.memref_slice %arg7[%add3A_221, %dma_start3A_222] : memref<80x256xi32, #tpu.memory_space<vmem>> -> memref<1x256xi32, #tpu.memory_space<vmem>>
        %dma_start3A_224 = tpu.memref_squeeze %dma_start3A_223 : memref<1x256xi32, #tpu.memory_space<vmem>> -> memref<256xi32, #tpu.memory_space<vmem>>
        %dma_start3A_225 = arith.constant 0 : i32
        %dma_start3A_226 = arith.constant 0 : i32
        %dma_start3A_227 = tpu.memref_slice %arg2[%arg0, %dma_start3A_225, %dma_start3A_226] : memref<2x10112x64xf32, #tpu.memory_space<hbm>> -> memref<1x10112x64xf32, #tpu.memory_space<hbm>>
        %dma_start3A_228 = tpu.memref_squeeze %dma_start3A_227 : memref<1x10112x64xf32, #tpu.memory_space<hbm>> -> memref<10112x64xf32, #tpu.memory_space<hbm>>
        %dma_start3A_229 = arith.constant 0 : i32
        %dma_start3A_230 = arith.constant 0 : i32
        %dma_start3A_231 = tpu.memref_slice %dma_start3A_228[%dma_start3A_229, %dma_start3A_230] : memref<10112x64xf32, #tpu.memory_space<hbm>> -> memref<10112x64xf32, #tpu.memory_space<hbm>>
        tpu.enqueue_indirect_dma source(%dma_start3A_231 : memref<10112x64xf32, #tpu.memory_space<hbm>>) target(%arg10 : memref<256x64xf32, #tpu.memory_space<vmem>>) offsets(%dma_start3A_224 : memref<256xi32, #tpu.memory_space<vmem>>) semaphore(%arg14 : memref<!tpu.dma_semaphore, #tpu.memory_space<semaphore_mem>>)
      } else {
      }
      %add3A_152 = arith.constant 1 : i32
      %add3A_153 = arith.addi %mul3A_117, %add3A_152 : i32
      %dma_wait3A_154 = arith.constant 0 : i32
      %dma_wait3A_155 = arith.constant 0 : i32
      %dma_wait3A_156 = tpu.memref_slice %arg2[%arg0, %dma_wait3A_154, %dma_wait3A_155] : memref<2x10112x64xf32, #tpu.memory_space<hbm>> -> memref<1x10112x64xf32, #tpu.memory_space<hbm>>
      %dma_wait3A_157 = tpu.memref_squeeze %dma_wait3A_156 : memref<1x10112x64xf32, #tpu.memory_space<hbm>> -> memref<10112x64xf32, #tpu.memory_space<hbm>>
      %dma_wait3A_158 = arith.constant 0 : i32
      %dma_wait3A_159 = arith.constant 0 : i32
      %dma_wait3A_160 = tpu.memref_slice %dma_wait3A_157[%dma_wait3A_158, %dma_wait3A_159] : memref<10112x64xf32, #tpu.memory_space<hbm>> -> memref<256x64xf32, #tpu.memory_space<hbm>>
      %dma_wait3A_161 = arith.constant 0 : i32
      %dma_wait3A_162 = arith.constant 0 : i32
      %dma_wait3A_163 = tpu.memref_slice %arg2[%arg0, %dma_wait3A_161, %dma_wait3A_162] : memref<2x10112x64xf32, #tpu.memory_space<hbm>> -> memref<1x10112x64xf32, #tpu.memory_space<hbm>>
      %dma_wait3A_164 = tpu.memref_squeeze %dma_wait3A_163 : memref<1x10112x64xf32, #tpu.memory_space<hbm>> -> memref<10112x64xf32, #tpu.memory_space<hbm>>
      %dma_wait3A_165 = arith.constant 0 : i32
      %dma_wait3A_166 = arith.constant 0 : i32
      %dma_wait3A_167 = tpu.memref_slice %dma_wait3A_164[%dma_wait3A_165, %dma_wait3A_166] : memref<10112x64xf32, #tpu.memory_space<hbm>> -> memref<256x64xf32, #tpu.memory_space<hbm>>
      tpu.wait_dma2 semaphore(%arg14 : memref<!tpu.dma_semaphore, #tpu.memory_space<semaphore_mem>>) src(%dma_wait3A_167 : memref<256x64xf32, #tpu.memory_space<hbm>>) dst(%arg10 : memref<256x64xf32, #tpu.memory_space<vmem>>)
      %dma_start3A_168 = arith.constant 0 : i32
      %dma_start3A_169 = tpu.memref_slice %arg8[%add3A_153, %dma_start3A_168] : memref<80x256xi32, #tpu.memory_space<vmem>> -> memref<1x256xi32, #tpu.memory_space<vmem>>
      %dma_start3A_170 = tpu.memref_squeeze %dma_start3A_169 : memref<1x256xi32, #tpu.memory_space<vmem>> -> memref<256xi32, #tpu.memory_space<vmem>>
      %dma_start3A_171 = arith.constant 0 : i32
      %dma_start3A_172 = arith.constant 0 : i32
      %dma_start3A_173 = tpu.memref_slice %arg12[%dma_start3A_171, %dma_start3A_172] : memref<10112x64xf32, #tpu.memory_space<vmem_shared>> -> memref<10112x64xf32, #tpu.memory_space<vmem_shared>>
      tpu.enqueue_indirect_dma source(%arg10 : memref<256x64xf32, #tpu.memory_space<vmem>>) target(%dma_start3A_173 : memref<10112x64xf32, #tpu.memory_space<vmem_shared>>) offsets(%dma_start3A_170 : memref<256xi32, #tpu.memory_space<vmem>>) semaphore(%arg17 : memref<!tpu.dma_semaphore, #tpu.memory_space<semaphore_mem>>) {add = true}
      %ge3A_174 = arith.constant 2 : i32
      %ge3A_175 = arith.cmpi sge, %add3A_153, %ge3A_174 : i32
      %convert_element_type3A_176 = arith.extui %ge3A_175 : i1 to i32
      %cond3A_177 = arith.constant 0 : i32
      %cond3A_178 = arith.cmpi ne, %convert_element_type3A_176, %cond3A_177 : i32
      scf.if %cond3A_178 {
        %dma_wait3A_220 = arith.constant 0 : i32
        %dma_wait3A_221 = arith.constant 0 : i32
        %dma_wait3A_222 = tpu.memref_slice %arg2[%arg0, %dma_wait3A_220, %dma_wait3A_221] : memref<2x10112x64xf32, #tpu.memory_space<hbm>> -> memref<1x10112x64xf32, #tpu.memory_space<hbm>>
        %dma_wait3A_223 = tpu.memref_squeeze %dma_wait3A_222 : memref<1x10112x64xf32, #tpu.memory_space<hbm>> -> memref<10112x64xf32, #tpu.memory_space<hbm>>
        %dma_wait3A_224 = arith.constant 0 : i32
        %dma_wait3A_225 = arith.constant 0 : i32
        %dma_wait3A_226 = tpu.memref_slice %dma_wait3A_223[%dma_wait3A_224, %dma_wait3A_225] : memref<10112x64xf32, #tpu.memory_space<hbm>> -> memref<256x64xf32, #tpu.memory_space<hbm>>
        %dma_wait3A_227 = arith.constant 0 : i32
        %dma_wait3A_228 = arith.constant 0 : i32
        %dma_wait3A_229 = tpu.memref_slice %arg2[%arg0, %dma_wait3A_227, %dma_wait3A_228] : memref<2x10112x64xf32, #tpu.memory_space<hbm>> -> memref<1x10112x64xf32, #tpu.memory_space<hbm>>
        %dma_wait3A_230 = tpu.memref_squeeze %dma_wait3A_229 : memref<1x10112x64xf32, #tpu.memory_space<hbm>> -> memref<10112x64xf32, #tpu.memory_space<hbm>>
        %dma_wait3A_231 = arith.constant 0 : i32
        %dma_wait3A_232 = arith.constant 0 : i32
        %dma_wait3A_233 = tpu.memref_slice %dma_wait3A_230[%dma_wait3A_231, %dma_wait3A_232] : memref<10112x64xf32, #tpu.memory_space<hbm>> -> memref<256x64xf32, #tpu.memory_space<hbm>>
        tpu.wait_dma2 semaphore(%arg18 : memref<!tpu.dma_semaphore, #tpu.memory_space<semaphore_mem>>) src(%dma_wait3A_233 : memref<256x64xf32, #tpu.memory_space<hbm>>) dst(%arg11 : memref<256x64xf32, #tpu.memory_space<vmem>>)
      } else {
      }
      %add3A_179 = arith.constant 1 : i32
      %add3A_180 = arith.addi %add3A_153, %add3A_179 : i32
      %lt3A_181 = arith.constant 80 : i32
      %lt3A_182 = arith.cmpi slt, %add3A_180, %lt3A_181 : i32
      %convert_element_type3A_183 = arith.extui %lt3A_182 : i1 to i32
      %cond3A_184 = arith.constant 0 : i32
      %cond3A_185 = arith.cmpi ne, %convert_element_type3A_183, %cond3A_184 : i32
      scf.if %cond3A_185 {
        %add3A_220 = arith.constant 1 : i32
        %add3A_221 = arith.addi %add3A_153, %add3A_220 : i32
        %dma_start3A_222 = arith.constant 0 : i32
        %dma_start3A_223 = tpu.memref_slice %arg7[%add3A_221, %dma_start3A_222] : memref<80x256xi32, #tpu.memory_space<vmem>> -> memref<1x256xi32, #tpu.memory_space<vmem>>
        %dma_start3A_224 = tpu.memref_squeeze %dma_start3A_223 : memref<1x256xi32, #tpu.memory_space<vmem>> -> memref<256xi32, #tpu.memory_space<vmem>>
        %dma_start3A_225 = arith.constant 0 : i32
        %dma_start3A_226 = arith.constant 0 : i32
        %dma_start3A_227 = tpu.memref_slice %arg2[%arg0, %dma_start3A_225, %dma_start3A_226] : memref<2x10112x64xf32, #tpu.memory_space<hbm>> -> memref<1x10112x64xf32, #tpu.memory_space<hbm>>
        %dma_start3A_228 = tpu.memref_squeeze %dma_start3A_227 : memref<1x10112x64xf32, #tpu.memory_space<hbm>> -> memref<10112x64xf32, #tpu.memory_space<hbm>>
        %dma_start3A_229 = arith.constant 0 : i32
        %dma_start3A_230 = arith.constant 0 : i32
        %dma_start3A_231 = tpu.memref_slice %dma_start3A_228[%dma_start3A_229, %dma_start3A_230] : memref<10112x64xf32, #tpu.memory_space<hbm>> -> memref<10112x64xf32, #tpu.memory_space<hbm>>
        tpu.enqueue_indirect_dma source(%dma_start3A_231 : memref<10112x64xf32, #tpu.memory_space<hbm>>) target(%arg11 : memref<256x64xf32, #tpu.memory_space<vmem>>) offsets(%dma_start3A_224 : memref<256xi32, #tpu.memory_space<vmem>>) semaphore(%arg15 : memref<!tpu.dma_semaphore, #tpu.memory_space<semaphore_mem>>)
      } else {
      }
      %add3A_186 = arith.constant 2 : i32
      %add3A_187 = arith.addi %mul3A_117, %add3A_186 : i32
      %dma_wait3A_188 = arith.constant 0 : i32
      %dma_wait3A_189 = arith.constant 0 : i32
      %dma_wait3A_190 = tpu.memref_slice %arg2[%arg0, %dma_wait3A_188, %dma_wait3A_189] : memref<2x10112x64xf32, #tpu.memory_space<hbm>> -> memref<1x10112x64xf32, #tpu.memory_space<hbm>>
      %dma_wait3A_191 = tpu.memref_squeeze %dma_wait3A_190 : memref<1x10112x64xf32, #tpu.memory_space<hbm>> -> memref<10112x64xf32, #tpu.memory_space<hbm>>
      %dma_wait3A_192 = arith.constant 0 : i32
      %dma_wait3A_193 = arith.constant 0 : i32
      %dma_wait3A_194 = tpu.memref_slice %dma_wait3A_191[%dma_wait3A_192, %dma_wait3A_193] : memref<10112x64xf32, #tpu.memory_space<hbm>> -> memref<256x64xf32, #tpu.memory_space<hbm>>
      %dma_wait3A_195 = arith.constant 0 : i32
      %dma_wait3A_196 = arith.constant 0 : i32
      %dma_wait3A_197 = tpu.memref_slice %arg2[%arg0, %dma_wait3A_195, %dma_wait3A_196] : memref<2x10112x64xf32, #tpu.memory_space<hbm>> -> memref<1x10112x64xf32, #tpu.memory_space<hbm>>
      %dma_wait3A_198 = tpu.memref_squeeze %dma_wait3A_197 : memref<1x10112x64xf32, #tpu.memory_space<hbm>> -> memref<10112x64xf32, #tpu.memory_space<hbm>>
      %dma_wait3A_199 = arith.constant 0 : i32
      %dma_wait3A_200 = arith.constant 0 : i32
      %dma_wait3A_201 = tpu.memref_slice %dma_wait3A_198[%dma_wait3A_199, %dma_wait3A_200] : memref<10112x64xf32, #tpu.memory_space<hbm>> -> memref<256x64xf32, #tpu.memory_space<hbm>>
      tpu.wait_dma2 semaphore(%arg15 : memref<!tpu.dma_semaphore, #tpu.memory_space<semaphore_mem>>) src(%dma_wait3A_201 : memref<256x64xf32, #tpu.memory_space<hbm>>) dst(%arg11 : memref<256x64xf32, #tpu.memory_space<vmem>>)
      %dma_start3A_202 = arith.constant 0 : i32
      %dma_start3A_203 = tpu.memref_slice %arg8[%add3A_187, %dma_start3A_202] : memref<80x256xi32, #tpu.memory_space<vmem>> -> memref<1x256xi32, #tpu.memory_space<vmem>>
      %dma_start3A_204 = tpu.memref_squeeze %dma_start3A_203 : memref<1x256xi32, #tpu.memory_space<vmem>> -> memref<256xi32, #tpu.memory_space<vmem>>
      %dma_start3A_205 = arith.constant 0 : i32
      %dma_start3A_206 = arith.constant 0 : i32
      %dma_start3A_207 = tpu.memref_slice %arg12[%dma_start3A_205, %dma_start3A_206] : memref<10112x64xf32, #tpu.memory_space<vmem_shared>> -> memref<10112x64xf32, #tpu.memory_space<vmem_shared>>
      tpu.enqueue_indirect_dma source(%arg11 : memref<256x64xf32, #tpu.memory_space<vmem>>) target(%dma_start3A_207 : memref<10112x64xf32, #tpu.memory_space<vmem_shared>>) offsets(%dma_start3A_204 : memref<256xi32, #tpu.memory_space<vmem>>) semaphore(%arg18 : memref<!tpu.dma_semaphore, #tpu.memory_space<semaphore_mem>>) {add = true}
      %ge3A_208 = arith.constant 2 : i32
      %ge3A_209 = arith.cmpi sge, %add3A_187, %ge3A_208 : i32
      %convert_element_type3A_210 = arith.extui %ge3A_209 : i1 to i32
      %cond3A_211 = arith.constant 0 : i32
      %cond3A_212 = arith.cmpi ne, %convert_element_type3A_210, %cond3A_211 : i32
      scf.if %cond3A_212 {
        %dma_wait3A_220 = arith.constant 0 : i32
        %dma_wait3A_221 = arith.constant 0 : i32
        %dma_wait3A_222 = tpu.memref_slice %arg2[%arg0, %dma_wait3A_220, %dma_wait3A_221] : memref<2x10112x64xf32, #tpu.memory_space<hbm>> -> memref<1x10112x64xf32, #tpu.memory_space<hbm>>
        %dma_wait3A_223 = tpu.memref_squeeze %dma_wait3A_222 : memref<1x10112x64xf32, #tpu.memory_space<hbm>> -> memref<10112x64xf32, #tpu.memory_space<hbm>>
        %dma_wait3A_224 = arith.constant 0 : i32
        %dma_wait3A_225 = arith.constant 0 : i32
        %dma_wait3A_226 = tpu.memref_slice %dma_wait3A_223[%dma_wait3A_224, %dma_wait3A_225] : memref<10112x64xf32, #tpu.memory_space<hbm>> -> memref<256x64xf32, #tpu.memory_space<hbm>>
        %dma_wait3A_227 = arith.constant 0 : i32
        %dma_wait3A_228 = arith.constant 0 : i32
        %dma_wait3A_229 = tpu.memref_slice %arg2[%arg0, %dma_wait3A_227, %dma_wait3A_228] : memref<2x10112x64xf32, #tpu.memory_space<hbm>> -> memref<1x10112x64xf32, #tpu.memory_space<hbm>>
        %dma_wait3A_230 = tpu.memref_squeeze %dma_wait3A_229 : memref<1x10112x64xf32, #tpu.memory_space<hbm>> -> memref<10112x64xf32, #tpu.memory_space<hbm>>
        %dma_wait3A_231 = arith.constant 0 : i32
        %dma_wait3A_232 = arith.constant 0 : i32
        %dma_wait3A_233 = tpu.memref_slice %dma_wait3A_230[%dma_wait3A_231, %dma_wait3A_232] : memref<10112x64xf32, #tpu.memory_space<hbm>> -> memref<256x64xf32, #tpu.memory_space<hbm>>
        tpu.wait_dma2 semaphore(%arg16 : memref<!tpu.dma_semaphore, #tpu.memory_space<semaphore_mem>>) src(%dma_wait3A_233 : memref<256x64xf32, #tpu.memory_space<hbm>>) dst(%arg9 : memref<256x64xf32, #tpu.memory_space<vmem>>)
      } else {
      }
      %add3A_213 = arith.constant 1 : i32
      %add3A_214 = arith.addi %add3A_187, %add3A_213 : i32
      %lt3A_215 = arith.constant 80 : i32
      %lt3A_216 = arith.cmpi slt, %add3A_214, %lt3A_215 : i32
      %convert_element_type3A_217 = arith.extui %lt3A_216 : i1 to i32
      %cond3A_218 = arith.constant 0 : i32
      %cond3A_219 = arith.cmpi ne, %convert_element_type3A_217, %cond3A_218 : i32
      scf.if %cond3A_219 {
        %add3A_220 = arith.constant 1 : i32
        %add3A_221 = arith.addi %add3A_187, %add3A_220 : i32
        %dma_start3A_222 = arith.constant 0 : i32
        %dma_start3A_223 = tpu.memref_slice %arg7[%add3A_221, %dma_start3A_222] : memref<80x256xi32, #tpu.memory_space<vmem>> -> memref<1x256xi32, #tpu.memory_space<vmem>>
        %dma_start3A_224 = tpu.memref_squeeze %dma_start3A_223 : memref<1x256xi32, #tpu.memory_space<vmem>> -> memref<256xi32, #tpu.memory_space<vmem>>
        %dma_start3A_225 = arith.constant 0 : i32
        %dma_start3A_226 = arith.constant 0 : i32
        %dma_start3A_227 = tpu.memref_slice %arg2[%arg0, %dma_start3A_225, %dma_start3A_226] : memref<2x10112x64xf32, #tpu.memory_space<hbm>> -> memref<1x10112x64xf32, #tpu.memory_space<hbm>>
        %dma_start3A_228 = tpu.memref_squeeze %dma_start3A_227 : memref<1x10112x64xf32, #tpu.memory_space<hbm>> -> memref<10112x64xf32, #tpu.memory_space<hbm>>
        %dma_start3A_229 = arith.constant 0 : i32
        %dma_start3A_230 = arith.constant 0 : i32
        %dma_start3A_231 = tpu.memref_slice %dma_start3A_228[%dma_start3A_229, %dma_start3A_230] : memref<10112x64xf32, #tpu.memory_space<hbm>> -> memref<10112x64xf32, #tpu.memory_space<hbm>>
        tpu.enqueue_indirect_dma source(%dma_start3A_231 : memref<10112x64xf32, #tpu.memory_space<hbm>>) target(%arg9 : memref<256x64xf32, #tpu.memory_space<vmem>>) offsets(%dma_start3A_224 : memref<256xi32, #tpu.memory_space<vmem>>) semaphore(%arg13 : memref<!tpu.dma_semaphore, #tpu.memory_space<semaphore_mem>>)
      } else {
      }
    }
    %scan3A_19 = arith.constant 26 : i32
    %dma_wait3A = arith.constant 0 : i32
    %dma_wait3A_20 = arith.constant 0 : i32
    %dma_wait3A_21 = tpu.memref_slice %arg2[%arg0, %dma_wait3A, %dma_wait3A_20] : memref<2x10112x64xf32, #tpu.memory_space<hbm>> -> memref<1x10112x64xf32, #tpu.memory_space<hbm>>
    %dma_wait3A_22 = tpu.memref_squeeze %dma_wait3A_21 : memref<1x10112x64xf32, #tpu.memory_space<hbm>> -> memref<10112x64xf32, #tpu.memory_space<hbm>>
    %dma_wait3A_23 = arith.constant 0 : i32
    %dma_wait3A_24 = arith.constant 0 : i32
    %dma_wait3A_25 = tpu.memref_slice %dma_wait3A_22[%dma_wait3A_23, %dma_wait3A_24] : memref<10112x64xf32, #tpu.memory_space<hbm>> -> memref<256x64xf32, #tpu.memory_space<hbm>>
    %dma_wait3A_26 = arith.constant 0 : i32
    %dma_wait3A_27 = arith.constant 0 : i32
    %dma_wait3A_28 = tpu.memref_slice %arg2[%arg0, %dma_wait3A_26, %dma_wait3A_27] : memref<2x10112x64xf32, #tpu.memory_space<hbm>> -> memref<1x10112x64xf32, #tpu.memory_space<hbm>>
    %dma_wait3A_29 = tpu.memref_squeeze %dma_wait3A_28 : memref<1x10112x64xf32, #tpu.memory_space<hbm>> -> memref<10112x64xf32, #tpu.memory_space<hbm>>
    %dma_wait3A_30 = arith.constant 0 : i32
    %dma_wait3A_31 = arith.constant 0 : i32
    %dma_wait3A_32 = tpu.memref_slice %dma_wait3A_29[%dma_wait3A_30, %dma_wait3A_31] : memref<10112x64xf32, #tpu.memory_space<hbm>> -> memref<256x64xf32, #tpu.memory_space<hbm>>
    tpu.wait_dma2 semaphore(%arg13 : memref<!tpu.dma_semaphore, #tpu.memory_space<semaphore_mem>>) src(%dma_wait3A_32 : memref<256x64xf32, #tpu.memory_space<hbm>>) dst(%arg9 : memref<256x64xf32, #tpu.memory_space<vmem>>)
    %dma_start3A_33 = arith.constant 78 : i32
    %dma_start3A_34 = arith.constant 0 : i32
    %dma_start3A_35 = tpu.memref_slice %arg8[%dma_start3A_33, %dma_start3A_34] : memref<80x256xi32, #tpu.memory_space<vmem>> -> memref<1x256xi32, #tpu.memory_space<vmem>>
    %dma_start3A_36 = tpu.memref_squeeze %dma_start3A_35 : memref<1x256xi32, #tpu.memory_space<vmem>> -> memref<256xi32, #tpu.memory_space<vmem>>
    %dma_start3A_37 = arith.constant 0 : i32
    %dma_start3A_38 = arith.constant 0 : i32
    %dma_start3A_39 = tpu.memref_slice %arg12[%dma_start3A_37, %dma_start3A_38] : memref<10112x64xf32, #tpu.memory_space<vmem_shared>> -> memref<10112x64xf32, #tpu.memory_space<vmem_shared>>
    tpu.enqueue_indirect_dma source(%arg9 : memref<256x64xf32, #tpu.memory_space<vmem>>) target(%dma_start3A_39 : memref<10112x64xf32, #tpu.memory_space<vmem_shared>>) offsets(%dma_start3A_36 : memref<256xi32, #tpu.memory_space<vmem>>) semaphore(%arg16 : memref<!tpu.dma_semaphore, #tpu.memory_space<semaphore_mem>>) {add = true}
    %ge3A = arith.constant 78 : i32
    %ge3A_40 = arith.constant 2 : i32
    %ge3A_41 = arith.cmpi sge, %ge3A, %ge3A_40 : i32
    %convert_element_type3A = arith.extui %ge3A_41 : i1 to i32
    %cond3A = arith.constant 0 : i32
    %cond3A_42 = arith.cmpi ne, %convert_element_type3A, %cond3A : i32
    scf.if %cond3A_42 {
      %dma_wait3A_115 = arith.constant 0 : i32
      %dma_wait3A_116 = arith.constant 0 : i32
      %dma_wait3A_117 = tpu.memref_slice %arg2[%arg0, %dma_wait3A_115, %dma_wait3A_116] : memref<2x10112x64xf32, #tpu.memory_space<hbm>> -> memref<1x10112x64xf32, #tpu.memory_space<hbm>>
      %dma_wait3A_118 = tpu.memref_squeeze %dma_wait3A_117 : memref<1x10112x64xf32, #tpu.memory_space<hbm>> -> memref<10112x64xf32, #tpu.memory_space<hbm>>
      %dma_wait3A_119 = arith.constant 0 : i32
      %dma_wait3A_120 = arith.constant 0 : i32
      %dma_wait3A_121 = tpu.memref_slice %dma_wait3A_118[%dma_wait3A_119, %dma_wait3A_120] : memref<10112x64xf32, #tpu.memory_space<hbm>> -> memref<256x64xf32, #tpu.memory_space<hbm>>
      %dma_wait3A_122 = arith.constant 0 : i32
      %dma_wait3A_123 = arith.constant 0 : i32
      %dma_wait3A_124 = tpu.memref_slice %arg2[%arg0, %dma_wait3A_122, %dma_wait3A_123] : memref<2x10112x64xf32, #tpu.memory_space<hbm>> -> memref<1x10112x64xf32, #tpu.memory_space<hbm>>
      %dma_wait3A_125 = tpu.memref_squeeze %dma_wait3A_124 : memref<1x10112x64xf32, #tpu.memory_space<hbm>> -> memref<10112x64xf32, #tpu.memory_space<hbm>>
      %dma_wait3A_126 = arith.constant 0 : i32
      %dma_wait3A_127 = arith.constant 0 : i32
      %dma_wait3A_128 = tpu.memref_slice %dma_wait3A_125[%dma_wait3A_126, %dma_wait3A_127] : memref<10112x64xf32, #tpu.memory_space<hbm>> -> memref<256x64xf32, #tpu.memory_space<hbm>>
      tpu.wait_dma2 semaphore(%arg17 : memref<!tpu.dma_semaphore, #tpu.memory_space<semaphore_mem>>) src(%dma_wait3A_128 : memref<256x64xf32, #tpu.memory_space<hbm>>) dst(%arg10 : memref<256x64xf32, #tpu.memory_space<vmem>>)
    } else {
    }
    %add3A = arith.constant 78 : i32
    %add3A_43 = arith.constant 1 : i32
    %add3A_44 = arith.addi %add3A, %add3A_43 : i32
    %lt3A = arith.constant 80 : i32
    %lt3A_45 = arith.cmpi slt, %add3A_44, %lt3A : i32
    %convert_element_type3A_46 = arith.extui %lt3A_45 : i1 to i32
    %cond3A_47 = arith.constant 78 : i32
    %cond3A_48 = arith.constant 0 : i32
    %cond3A_49 = arith.cmpi ne, %convert_element_type3A_46, %cond3A_48 : i32
    scf.if %cond3A_49 {
      %add3A_115 = arith.constant 1 : i32
      %add3A_116 = arith.addi %cond3A_47, %add3A_115 : i32
      %dma_start3A_117 = arith.constant 0 : i32
      %dma_start3A_118 = tpu.memref_slice %arg7[%add3A_116, %dma_start3A_117] : memref<80x256xi32, #tpu.memory_space<vmem>> -> memref<1x256xi32, #tpu.memory_space<vmem>>
      %dma_start3A_119 = tpu.memref_squeeze %dma_start3A_118 : memref<1x256xi32, #tpu.memory_space<vmem>> -> memref<256xi32, #tpu.memory_space<vmem>>
      %dma_start3A_120 = arith.constant 0 : i32
      %dma_start3A_121 = arith.constant 0 : i32
      %dma_start3A_122 = tpu.memref_slice %arg2[%arg0, %dma_start3A_120, %dma_start3A_121] : memref<2x10112x64xf32, #tpu.memory_space<hbm>> -> memref<1x10112x64xf32, #tpu.memory_space<hbm>>
      %dma_start3A_123 = tpu.memref_squeeze %dma_start3A_122 : memref<1x10112x64xf32, #tpu.memory_space<hbm>> -> memref<10112x64xf32, #tpu.memory_space<hbm>>
      %dma_start3A_124 = arith.constant 0 : i32
      %dma_start3A_125 = arith.constant 0 : i32
      %dma_start3A_126 = tpu.memref_slice %dma_start3A_123[%dma_start3A_124, %dma_start3A_125] : memref<10112x64xf32, #tpu.memory_space<hbm>> -> memref<10112x64xf32, #tpu.memory_space<hbm>>
      tpu.enqueue_indirect_dma source(%dma_start3A_126 : memref<10112x64xf32, #tpu.memory_space<hbm>>) target(%arg10 : memref<256x64xf32, #tpu.memory_space<vmem>>) offsets(%dma_start3A_119 : memref<256xi32, #tpu.memory_space<vmem>>) semaphore(%arg14 : memref<!tpu.dma_semaphore, #tpu.memory_space<semaphore_mem>>)
    } else {
    }
    %dma_wait3A_50 = arith.constant 0 : i32
    %dma_wait3A_51 = arith.constant 0 : i32
    %dma_wait3A_52 = tpu.memref_slice %arg2[%arg0, %dma_wait3A_50, %dma_wait3A_51] : memref<2x10112x64xf32, #tpu.memory_space<hbm>> -> memref<1x10112x64xf32, #tpu.memory_space<hbm>>
    %dma_wait3A_53 = tpu.memref_squeeze %dma_wait3A_52 : memref<1x10112x64xf32, #tpu.memory_space<hbm>> -> memref<10112x64xf32, #tpu.memory_space<hbm>>
    %dma_wait3A_54 = arith.constant 0 : i32
    %dma_wait3A_55 = arith.constant 0 : i32
    %dma_wait3A_56 = tpu.memref_slice %dma_wait3A_53[%dma_wait3A_54, %dma_wait3A_55] : memref<10112x64xf32, #tpu.memory_space<hbm>> -> memref<256x64xf32, #tpu.memory_space<hbm>>
    %dma_wait3A_57 = arith.constant 0 : i32
    %dma_wait3A_58 = arith.constant 0 : i32
    %dma_wait3A_59 = tpu.memref_slice %arg2[%arg0, %dma_wait3A_57, %dma_wait3A_58] : memref<2x10112x64xf32, #tpu.memory_space<hbm>> -> memref<1x10112x64xf32, #tpu.memory_space<hbm>>
    %dma_wait3A_60 = tpu.memref_squeeze %dma_wait3A_59 : memref<1x10112x64xf32, #tpu.memory_space<hbm>> -> memref<10112x64xf32, #tpu.memory_space<hbm>>
    %dma_wait3A_61 = arith.constant 0 : i32
    %dma_wait3A_62 = arith.constant 0 : i32
    %dma_wait3A_63 = tpu.memref_slice %dma_wait3A_60[%dma_wait3A_61, %dma_wait3A_62] : memref<10112x64xf32, #tpu.memory_space<hbm>> -> memref<256x64xf32, #tpu.memory_space<hbm>>
    tpu.wait_dma2 semaphore(%arg14 : memref<!tpu.dma_semaphore, #tpu.memory_space<semaphore_mem>>) src(%dma_wait3A_63 : memref<256x64xf32, #tpu.memory_space<hbm>>) dst(%arg10 : memref<256x64xf32, #tpu.memory_space<vmem>>)
    %dma_start3A_64 = arith.constant 79 : i32
    %dma_start3A_65 = arith.constant 0 : i32
    %dma_start3A_66 = tpu.memref_slice %arg8[%dma_start3A_64, %dma_start3A_65] : memref<80x256xi32, #tpu.memory_space<vmem>> -> memref<1x256xi32, #tpu.memory_space<vmem>>
    %dma_start3A_67 = tpu.memref_squeeze %dma_start3A_66 : memref<1x256xi32, #tpu.memory_space<vmem>> -> memref<256xi32, #tpu.memory_space<vmem>>
    %dma_start3A_68 = arith.constant 0 : i32
    %dma_start3A_69 = arith.constant 0 : i32
    %dma_start3A_70 = tpu.memref_slice %arg12[%dma_start3A_68, %dma_start3A_69] : memref<10112x64xf32, #tpu.memory_space<vmem_shared>> -> memref<10112x64xf32, #tpu.memory_space<vmem_shared>>
    tpu.enqueue_indirect_dma source(%arg10 : memref<256x64xf32, #tpu.memory_space<vmem>>) target(%dma_start3A_70 : memref<10112x64xf32, #tpu.memory_space<vmem_shared>>) offsets(%dma_start3A_67 : memref<256xi32, #tpu.memory_space<vmem>>) semaphore(%arg17 : memref<!tpu.dma_semaphore, #tpu.memory_space<semaphore_mem>>) {add = true}
    %ge3A_71 = arith.constant 79 : i32
    %ge3A_72 = arith.constant 2 : i32
    %ge3A_73 = arith.cmpi sge, %ge3A_71, %ge3A_72 : i32
    %convert_element_type3A_74 = arith.extui %ge3A_73 : i1 to i32
    %cond3A_75 = arith.constant 0 : i32
    %cond3A_76 = arith.cmpi ne, %convert_element_type3A_74, %cond3A_75 : i32
    scf.if %cond3A_76 {
      %dma_wait3A_115 = arith.constant 0 : i32
      %dma_wait3A_116 = arith.constant 0 : i32
      %dma_wait3A_117 = tpu.memref_slice %arg2[%arg0, %dma_wait3A_115, %dma_wait3A_116] : memref<2x10112x64xf32, #tpu.memory_space<hbm>> -> memref<1x10112x64xf32, #tpu.memory_space<hbm>>
      %dma_wait3A_118 = tpu.memref_squeeze %dma_wait3A_117 : memref<1x10112x64xf32, #tpu.memory_space<hbm>> -> memref<10112x64xf32, #tpu.memory_space<hbm>>
      %dma_wait3A_119 = arith.constant 0 : i32
      %dma_wait3A_120 = arith.constant 0 : i32
      %dma_wait3A_121 = tpu.memref_slice %dma_wait3A_118[%dma_wait3A_119, %dma_wait3A_120] : memref<10112x64xf32, #tpu.memory_space<hbm>> -> memref<256x64xf32, #tpu.memory_space<hbm>>
      %dma_wait3A_122 = arith.constant 0 : i32
      %dma_wait3A_123 = arith.constant 0 : i32
      %dma_wait3A_124 = tpu.memref_slice %arg2[%arg0, %dma_wait3A_122, %dma_wait3A_123] : memref<2x10112x64xf32, #tpu.memory_space<hbm>> -> memref<1x10112x64xf32, #tpu.memory_space<hbm>>
      %dma_wait3A_125 = tpu.memref_squeeze %dma_wait3A_124 : memref<1x10112x64xf32, #tpu.memory_space<hbm>> -> memref<10112x64xf32, #tpu.memory_space<hbm>>
      %dma_wait3A_126 = arith.constant 0 : i32
      %dma_wait3A_127 = arith.constant 0 : i32
      %dma_wait3A_128 = tpu.memref_slice %dma_wait3A_125[%dma_wait3A_126, %dma_wait3A_127] : memref<10112x64xf32, #tpu.memory_space<hbm>> -> memref<256x64xf32, #tpu.memory_space<hbm>>
      tpu.wait_dma2 semaphore(%arg18 : memref<!tpu.dma_semaphore, #tpu.memory_space<semaphore_mem>>) src(%dma_wait3A_128 : memref<256x64xf32, #tpu.memory_space<hbm>>) dst(%arg11 : memref<256x64xf32, #tpu.memory_space<vmem>>)
    } else {
    }
    %add3A_77 = arith.constant 79 : i32
    %add3A_78 = arith.constant 1 : i32
    %add3A_79 = arith.addi %add3A_77, %add3A_78 : i32
    %lt3A_80 = arith.constant 80 : i32
    %lt3A_81 = arith.cmpi slt, %add3A_79, %lt3A_80 : i32
    %convert_element_type3A_82 = arith.extui %lt3A_81 : i1 to i32
    %cond3A_83 = arith.constant 79 : i32
    %cond3A_84 = arith.constant 0 : i32
    %cond3A_85 = arith.cmpi ne, %convert_element_type3A_82, %cond3A_84 : i32
    scf.if %cond3A_85 {
      %add3A_115 = arith.constant 1 : i32
      %add3A_116 = arith.addi %cond3A_83, %add3A_115 : i32
      %dma_start3A_117 = arith.constant 0 : i32
      %dma_start3A_118 = tpu.memref_slice %arg7[%add3A_116, %dma_start3A_117] : memref<80x256xi32, #tpu.memory_space<vmem>> -> memref<1x256xi32, #tpu.memory_space<vmem>>
      %dma_start3A_119 = tpu.memref_squeeze %dma_start3A_118 : memref<1x256xi32, #tpu.memory_space<vmem>> -> memref<256xi32, #tpu.memory_space<vmem>>
      %dma_start3A_120 = arith.constant 0 : i32
      %dma_start3A_121 = arith.constant 0 : i32
      %dma_start3A_122 = tpu.memref_slice %arg2[%arg0, %dma_start3A_120, %dma_start3A_121] : memref<2x10112x64xf32, #tpu.memory_space<hbm>> -> memref<1x10112x64xf32, #tpu.memory_space<hbm>>
      %dma_start3A_123 = tpu.memref_squeeze %dma_start3A_122 : memref<1x10112x64xf32, #tpu.memory_space<hbm>> -> memref<10112x64xf32, #tpu.memory_space<hbm>>
      %dma_start3A_124 = arith.constant 0 : i32
      %dma_start3A_125 = arith.constant 0 : i32
      %dma_start3A_126 = tpu.memref_slice %dma_start3A_123[%dma_start3A_124, %dma_start3A_125] : memref<10112x64xf32, #tpu.memory_space<hbm>> -> memref<10112x64xf32, #tpu.memory_space<hbm>>
      tpu.enqueue_indirect_dma source(%dma_start3A_126 : memref<10112x64xf32, #tpu.memory_space<hbm>>) target(%arg11 : memref<256x64xf32, #tpu.memory_space<vmem>>) offsets(%dma_start3A_119 : memref<256xi32, #tpu.memory_space<vmem>>) semaphore(%arg15 : memref<!tpu.dma_semaphore, #tpu.memory_space<semaphore_mem>>)
    } else {
    }
    %dma_wait3A_86 = arith.constant 0 : i32
    %dma_wait3A_87 = arith.constant 0 : i32
    %dma_wait3A_88 = tpu.memref_slice %arg2[%arg0, %dma_wait3A_86, %dma_wait3A_87] : memref<2x10112x64xf32, #tpu.memory_space<hbm>> -> memref<1x10112x64xf32, #tpu.memory_space<hbm>>
    %dma_wait3A_89 = tpu.memref_squeeze %dma_wait3A_88 : memref<1x10112x64xf32, #tpu.memory_space<hbm>> -> memref<10112x64xf32, #tpu.memory_space<hbm>>
    %dma_wait3A_90 = arith.constant 0 : i32
    %dma_wait3A_91 = arith.constant 0 : i32
    %dma_wait3A_92 = tpu.memref_slice %dma_wait3A_89[%dma_wait3A_90, %dma_wait3A_91] : memref<10112x64xf32, #tpu.memory_space<hbm>> -> memref<256x64xf32, #tpu.memory_space<hbm>>
    %dma_wait3A_93 = arith.constant 0 : i32
    %dma_wait3A_94 = arith.constant 0 : i32
    %dma_wait3A_95 = tpu.memref_slice %arg2[%arg0, %dma_wait3A_93, %dma_wait3A_94] : memref<2x10112x64xf32, #tpu.memory_space<hbm>> -> memref<1x10112x64xf32, #tpu.memory_space<hbm>>
    %dma_wait3A_96 = tpu.memref_squeeze %dma_wait3A_95 : memref<1x10112x64xf32, #tpu.memory_space<hbm>> -> memref<10112x64xf32, #tpu.memory_space<hbm>>
    %dma_wait3A_97 = arith.constant 0 : i32
    %dma_wait3A_98 = arith.constant 0 : i32
    %dma_wait3A_99 = tpu.memref_slice %dma_wait3A_96[%dma_wait3A_97, %dma_wait3A_98] : memref<10112x64xf32, #tpu.memory_space<hbm>> -> memref<256x64xf32, #tpu.memory_space<hbm>>
    tpu.wait_dma2 semaphore(%arg16 : memref<!tpu.dma_semaphore, #tpu.memory_space<semaphore_mem>>) src(%dma_wait3A_99 : memref<256x64xf32, #tpu.memory_space<hbm>>) dst(%arg9 : memref<256x64xf32, #tpu.memory_space<vmem>>)
    %dma_wait3A_100 = arith.constant 0 : i32
    %dma_wait3A_101 = arith.constant 0 : i32
    %dma_wait3A_102 = tpu.memref_slice %arg2[%arg0, %dma_wait3A_100, %dma_wait3A_101] : memref<2x10112x64xf32, #tpu.memory_space<hbm>> -> memref<1x10112x64xf32, #tpu.memory_space<hbm>>
    %dma_wait3A_103 = tpu.memref_squeeze %dma_wait3A_102 : memref<1x10112x64xf32, #tpu.memory_space<hbm>> -> memref<10112x64xf32, #tpu.memory_space<hbm>>
    %dma_wait3A_104 = arith.constant 0 : i32
    %dma_wait3A_105 = arith.constant 0 : i32
    %dma_wait3A_106 = tpu.memref_slice %dma_wait3A_103[%dma_wait3A_104, %dma_wait3A_105] : memref<10112x64xf32, #tpu.memory_space<hbm>> -> memref<256x64xf32, #tpu.memory_space<hbm>>
    %dma_wait3A_107 = arith.constant 0 : i32
    %dma_wait3A_108 = arith.constant 0 : i32
    %dma_wait3A_109 = tpu.memref_slice %arg2[%arg0, %dma_wait3A_107, %dma_wait3A_108] : memref<2x10112x64xf32, #tpu.memory_space<hbm>> -> memref<1x10112x64xf32, #tpu.memory_space<hbm>>
    %dma_wait3A_110 = tpu.memref_squeeze %dma_wait3A_109 : memref<1x10112x64xf32, #tpu.memory_space<hbm>> -> memref<10112x64xf32, #tpu.memory_space<hbm>>
    %dma_wait3A_111 = arith.constant 0 : i32
    %dma_wait3A_112 = arith.constant 0 : i32
    %dma_wait3A_113 = tpu.memref_slice %dma_wait3A_110[%dma_wait3A_111, %dma_wait3A_112] : memref<10112x64xf32, #tpu.memory_space<hbm>> -> memref<256x64xf32, #tpu.memory_space<hbm>>
    tpu.wait_dma2 semaphore(%arg17 : memref<!tpu.dma_semaphore, #tpu.memory_space<semaphore_mem>>) src(%dma_wait3A_113 : memref<256x64xf32, #tpu.memory_space<hbm>>) dst(%arg10 : memref<256x64xf32, #tpu.memory_space<vmem>>)
    %barrier3A_114 = arith.constant 0 : index
    tpu.barrier barrier_id(%barrier3A_114)
    "tpu.region"() ({
      %run_scoped3A = tpu.sem_alloc : memref<!tpu.dma_semaphore, #tpu.memory_space<semaphore_mem>>
      %dma_start3A_115 = arith.constant 0 : i32
      %dma_start3A_116 = tpu.memref_slice %arg6[%arg0, %mul3A_0, %dma_start3A_115] : memref<2x10112x64xf32, #tpu.memory_space<hbm>> -> memref<1x632x64xf32, #tpu.memory_space<hbm>>
      %dma_start3A_117 = tpu.memref_squeeze %dma_start3A_116 : memref<1x632x64xf32, #tpu.memory_space<hbm>> -> memref<632x64xf32, #tpu.memory_space<hbm>>
      %dma_start3A_118 = arith.constant 0 : i32
      %dma_start3A_119 = tpu.memref_slice %arg12[%mul3A_0, %dma_start3A_118] : memref<10112x64xf32, #tpu.memory_space<vmem_shared>> -> memref<632x64xf32, #tpu.memory_space<vmem_shared>>
      tpu.enqueue_dma source(%dma_start3A_119 : memref<632x64xf32, #tpu.memory_space<vmem_shared>>) target(%dma_start3A_117 : memref<632x64xf32, #tpu.memory_space<hbm>>) target_semaphore(%run_scoped3A : memref<!tpu.dma_semaphore, #tpu.memory_space<semaphore_mem>>)
      %dma_wait3A_120 = arith.constant 0 : i32
      %dma_wait3A_121 = tpu.memref_slice %arg6[%arg0, %mul3A_0, %dma_wait3A_120] : memref<2x10112x64xf32, #tpu.memory_space<hbm>> -> memref<1x632x64xf32, #tpu.memory_space<hbm>>
      %dma_wait3A_122 = tpu.memref_squeeze %dma_wait3A_121 : memref<1x632x64xf32, #tpu.memory_space<hbm>> -> memref<632x64xf32, #tpu.memory_space<hbm>>
      %dma_wait3A_123 = arith.constant 0 : i32
      %dma_wait3A_124 = tpu.memref_slice %arg12[%mul3A_0, %dma_wait3A_123] : memref<10112x64xf32, #tpu.memory_space<vmem_shared>> -> memref<632x64xf32, #tpu.memory_space<vmem_shared>>
      tpu.wait_dma2 semaphore(%run_scoped3A : memref<!tpu.dma_semaphore, #tpu.memory_space<semaphore_mem>>) src(%dma_wait3A_124 : memref<632x64xf32, #tpu.memory_space<vmem_shared>>) dst(%dma_wait3A_122 : memref<632x64xf32, #tpu.memory_space<hbm>>)
      tpu.yield
    }) : () -> ()
    return
  }
}

module attributes {stable_mosaic.version = 14 : i64} {
  func.func @_prep_body(%arg0: memref<2x10112x16xf32, #tpu.memory_space<vmem>>, %arg1: memref<10000x128xf32, #tpu.memory_space<vmem>>, %arg2: memref<10112x64xf32, #tpu.memory_space<vmem>>, %arg3: memref<2x10112x64xf32, #tpu.memory_space<vmem>>) attributes {dimension_semantics = [], scalar_prefetch = 0 : i64, scratch_operands = 0 : i64, tpu.core_type = #tpu.core_type<tc>} {
    %get3A = arith.constant 0 : index
    %get3A_0 = arith.constant 0 : index
    %get3A_1 = arith.constant 0 : index
    %get3A_2 = vector.load %arg0[%get3A, %get3A_0, %get3A_1] : memref<2x10112x16xf32, #tpu.memory_space<vmem>>, vector<1x10112x1xf32>
    %get3A_3 = vector.shape_cast %get3A_2 : vector<1x10112x1xf32> to vector<10112x1xf32>
    %get3A_4 = arith.constant 1 : index
    %get3A_5 = arith.constant 0 : index
    %get3A_6 = arith.constant 0 : index
    %get3A_7 = vector.load %arg0[%get3A_4, %get3A_5, %get3A_6] : memref<2x10112x16xf32, #tpu.memory_space<vmem>>, vector<1x10112x1xf32>
    %get3A_8 = vector.shape_cast %get3A_7 : vector<1x10112x1xf32> to vector<10112x1xf32>
    %add3A = arith.addf %get3A_3, %get3A_8 : vector<10112x1xf32>
    %max3A = arith.constant 1.000000e+00 : f32
    %max3A_9 = vector.broadcast %max3A : f32 to vector<10112x1xf32>
    %max3A_10 = arith.maximumf %add3A, %max3A_9 : vector<10112x1xf32>
    %rsqrt3A = math.rsqrt %max3A_10 : vector<10112x1xf32>
    %broadcast_in_dim3A = vector.shape_cast %rsqrt3A : vector<10112x1xf32> to vector<10112x1xf32>
    %broadcast_in_dim3A_11 = vector.broadcast %broadcast_in_dim3A : vector<10112x1xf32> to vector<10112x64xf32>
    %swap3A = arith.constant 0 : index
    %swap3A_12 = arith.constant 0 : index
    %swap3A_13 = vector.load %arg2[%swap3A, %swap3A_12] : memref<10112x64xf32, #tpu.memory_space<vmem>>, vector<10112x64xf32>
    tpu.vector_store %arg2[%swap3A, %swap3A_12], %broadcast_in_dim3A_11 {strides = array<i32>} : memref<10112x64xf32, #tpu.memory_space<vmem>>, vector<10112x64xf32>,
    %slice3A = vector.extract_strided_slice %broadcast_in_dim3A_11 {offsets = [0, 0], sizes = [10000, 64], strides = [1, 1]} : vector<10112x64xf32> to vector<10000x64xf32>
    %get3A_14 = arith.constant 0 : index
    %get3A_15 = arith.constant 0 : index
    %get3A_16 = vector.load %arg1[%get3A_14, %get3A_15] : memref<10000x128xf32, #tpu.memory_space<vmem>>, vector<10000x64xf32>
    %mul3A = arith.mulf %get3A_16, %slice3A : vector<10000x64xf32>
    %swap3A_17 = arith.constant 0 : index
    %swap3A_18 = arith.constant 0 : index
    %swap3A_19 = arith.constant 0 : index
    %swap3A_20 = vector.load %arg3[%swap3A_17, %swap3A_18, %swap3A_19] : memref<2x10112x64xf32, #tpu.memory_space<vmem>>, vector<1x10000x64xf32>
    %swap3A_21 = vector.shape_cast %swap3A_20 : vector<1x10000x64xf32> to vector<10000x64xf32>
    %swap3A_22 = vector.shape_cast %mul3A : vector<10000x64xf32> to vector<1x10000x64xf32>
    tpu.vector_store %arg3[%swap3A_17, %swap3A_18, %swap3A_19], %swap3A_22 {strides = array<i32>} : memref<2x10112x64xf32, #tpu.memory_space<vmem>>, vector<1x10000x64xf32>,
    %get3A_23 = arith.constant 0 : index
    %get3A_24 = arith.constant 64 : index
    %get3A_25 = vector.load %arg1[%get3A_23, %get3A_24] : memref<10000x128xf32, #tpu.memory_space<vmem>>, vector<10000x64xf32>
    %mul3A_26 = arith.mulf %get3A_25, %slice3A : vector<10000x64xf32>
    %swap3A_27 = arith.constant 1 : index
    %swap3A_28 = arith.constant 0 : index
    %swap3A_29 = arith.constant 0 : index
    %swap3A_30 = vector.load %arg3[%swap3A_27, %swap3A_28, %swap3A_29] : memref<2x10112x64xf32, #tpu.memory_space<vmem>>, vector<1x10000x64xf32>
    %swap3A_31 = vector.shape_cast %swap3A_30 : vector<1x10000x64xf32> to vector<10000x64xf32>
    %swap3A_32 = vector.shape_cast %mul3A_26 : vector<10000x64xf32> to vector<1x10000x64xf32>
    tpu.vector_store %arg3[%swap3A_27, %swap3A_28, %swap3A_29], %swap3A_32 {strides = array<i32>} : memref<2x10112x64xf32, #tpu.memory_space<vmem>>, vector<1x10000x64xf32>,
    return
  }
}

module attributes {stable_mosaic.version = 14 : i64} {
  func.func @_scale_body(%arg0: memref<2x10112x64xf32, #tpu.memory_space<vmem>>, %arg1: memref<10112x64xf32, #tpu.memory_space<vmem>>, %arg2: memref<2x10112x64xf32, #tpu.memory_space<vmem>>) attributes {dimension_semantics = [], scalar_prefetch = 0 : i64, scratch_operands = 0 : i64, tpu.core_type = #tpu.core_type<tc>} {
    %get3A = arith.constant 0 : index
    %get3A_0 = arith.constant 0 : index
    %get3A_1 = vector.load %arg1[%get3A, %get3A_0] : memref<10112x64xf32, #tpu.memory_space<vmem>>, vector<10112x64xf32>
    %get3A_2 = arith.constant 0 : index
    %get3A_3 = arith.constant 0 : index
    %get3A_4 = vector.load %arg1[%get3A_2, %get3A_3] : memref<10112x64xf32, #tpu.memory_space<vmem>>, vector<10112x64xf32>
    %mul3A = arith.mulf %get3A_1, %get3A_4 : vector<10112x64xf32>
    %get3A_5 = arith.constant 0 : index
    %get3A_6 = arith.constant 0 : index
    %get3A_7 = arith.constant 0 : index
    %get3A_8 = vector.load %arg0[%get3A_5, %get3A_6, %get3A_7] : memref<2x10112x64xf32, #tpu.memory_space<vmem>>, vector<1x10112x64xf32>
    %get3A_9 = vector.shape_cast %get3A_8 : vector<1x10112x64xf32> to vector<10112x64xf32>
    %mul3A_10 = arith.mulf %get3A_9, %mul3A : vector<10112x64xf32>
    %swap3A = arith.constant 0 : index
    %swap3A_11 = arith.constant 0 : index
    %swap3A_12 = arith.constant 0 : index
    %swap3A_13 = vector.load %arg2[%swap3A, %swap3A_11, %swap3A_12] : memref<2x10112x64xf32, #tpu.memory_space<vmem>>, vector<1x10112x64xf32>
    %swap3A_14 = vector.shape_cast %swap3A_13 : vector<1x10112x64xf32> to vector<10112x64xf32>
    %swap3A_15 = vector.shape_cast %mul3A_10 : vector<10112x64xf32> to vector<1x10112x64xf32>
    tpu.vector_store %arg2[%swap3A, %swap3A_11, %swap3A_12], %swap3A_15 {strides = array<i32>} : memref<2x10112x64xf32, #tpu.memory_space<vmem>>, vector<1x10112x64xf32>,
    %get3A_16 = arith.constant 1 : index
    %get3A_17 = arith.constant 0 : index
    %get3A_18 = arith.constant 0 : index
    %get3A_19 = vector.load %arg0[%get3A_16, %get3A_17, %get3A_18] : memref<2x10112x64xf32, #tpu.memory_space<vmem>>, vector<1x10112x64xf32>
    %get3A_20 = vector.shape_cast %get3A_19 : vector<1x10112x64xf32> to vector<10112x64xf32>
    %mul3A_21 = arith.mulf %get3A_20, %mul3A : vector<10112x64xf32>
    %swap3A_22 = arith.constant 1 : index
    %swap3A_23 = arith.constant 0 : index
    %swap3A_24 = arith.constant 0 : index
    %swap3A_25 = vector.load %arg2[%swap3A_22, %swap3A_23, %swap3A_24] : memref<2x10112x64xf32, #tpu.memory_space<vmem>>, vector<1x10112x64xf32>
    %swap3A_26 = vector.shape_cast %swap3A_25 : vector<1x10112x64xf32> to vector<10112x64xf32>
    %swap3A_27 = vector.shape_cast %mul3A_21 : vector<10112x64xf32> to vector<1x10112x64xf32>
    tpu.vector_store %arg2[%swap3A_22, %swap3A_23, %swap3A_24], %swap3A_27 {strides = array<i32>} : memref<2x10112x64xf32, #tpu.memory_space<vmem>>, vector<1x10112x64xf32>,
    return
  }
}

module attributes {stable_mosaic.version = 14 : i64} {
  func.func @_mm_body(%arg0: i32, %arg1: memref<2000x128xf32, #tpu.memory_space<vmem>>, %arg2: memref<1x2000x64xf32, #tpu.memory_space<vmem>>, %arg3: memref<1x2000x64xf32, #tpu.memory_space<vmem>>, %arg4: memref<1x2000x64xf32, #tpu.memory_space<vmem>>, %arg5: memref<1x2000x64xf32, #tpu.memory_space<vmem>>, %arg6: memref<2000x64xf32, #tpu.memory_space<vmem>>, %arg7: memref<384x128xf32, #tpu.memory_space<vmem>>, %arg8: memref<1x128xf32, #tpu.memory_space<vmem>>, %arg9: memref<2000x128xf32, #tpu.memory_space<vmem>>) attributes {dimension_semantics = [#tpu.dimension_semantics<arbitrary>], iteration_bounds = array<i64: 5>, scalar_prefetch = 0 : i64, scratch_operands = 0 : i64, tpu.core_type = #tpu.core_type<tc>, window_params = [{transform_indices = @transform_0, window_bounds = array<i64: 2000, 128>}, {transform_indices = @transform_1, window_bounds = array<i64: 1, 2000, 64>}, {transform_indices = @transform_2, window_bounds = array<i64: 1, 2000, 64>}, {transform_indices = @transform_3, window_bounds = array<i64: 1, 2000, 64>}, {transform_indices = @transform_4, window_bounds = array<i64: 1, 2000, 64>}, {transform_indices = @transform_5, window_bounds = array<i64: 2000, 64>}, {pipeline_mode = #tpu.pipeline_mode<synchronous>, transform_indices = @transform_6, window_bounds = array<i64: 384, 128>}, {pipeline_mode = #tpu.pipeline_mode<synchronous>, transform_indices = @transform_7, window_bounds = array<i64: 1, 128>}, {transform_indices = @transform_8, window_bounds = array<i64: 2000, 128>}]} {
    %get3A = arith.constant 0 : index
    %get3A_0 = arith.constant 0 : index
    %get3A_1 = vector.load %arg6[%get3A, %get3A_0] : memref<2000x64xf32, #tpu.memory_space<vmem>>, vector<2000x64xf32>
    %get3A_2 = arith.constant 0 : index
    %get3A_3 = arith.constant 0 : index
    %get3A_4 = vector.load %arg1[%get3A_2, %get3A_3] : memref<2000x128xf32, #tpu.memory_space<vmem>>, vector<2000x128xf32>
    %get3A_5 = arith.constant 0 : index
    %get3A_6 = arith.constant 0 : index
    %get3A_7 = vector.load %arg7[%get3A_5, %get3A_6] : memref<384x128xf32, #tpu.memory_space<vmem>>, vector<128x128xf32>
    %dot_general3A = arith.constant dense<0.000000e+00> : vector<2000x128xf32>
    %dot_general3A_8 = tpu.matmul %get3A_4, %get3A_7, %dot_general3A {dimension_numbers = #tpu.dot_dimension_numbers<[1], [0], [0], [1], [0, 0, 1, 1], [], []>, precision = #tpu.contract_precision<fp32>, transpose_lhs_hint = false} : vector<2000x128xf32>, vector<128x128xf32>, vector<2000x128xf32> -> vector<2000x128xf32>
    %get3A_9 = arith.constant 0 : index
    %get3A_10 = arith.constant 0 : index
    %get3A_11 = arith.constant 0 : index
    %get3A_12 = vector.load %arg2[%get3A_9, %get3A_10, %get3A_11] : memref<1x2000x64xf32, #tpu.memory_space<vmem>>, vector<1x2000x64xf32>
    %get3A_13 = vector.shape_cast %get3A_12 : vector<1x2000x64xf32> to vector<2000x64xf32>
    %mul3A = arith.mulf %get3A_13, %get3A_1 : vector<2000x64xf32>
    %get3A_14 = arith.constant 128 : index
    %get3A_15 = arith.constant 0 : index
    %get3A_16 = vector.load %arg7[%get3A_14, %get3A_15] : memref<384x128xf32, #tpu.memory_space<vmem>>, vector<64x128xf32>
    %dot_general3A_17 = arith.constant dense<0.000000e+00> : vector<2000x128xf32>
    %dot_general3A_18 = tpu.matmul %mul3A, %get3A_16, %dot_general3A_17 {dimension_numbers = #tpu.dot_dimension_numbers<[1], [0], [0], [1], [0, 0, 1, 1], [], []>, precision = #tpu.contract_precision<fp32>, transpose_lhs_hint = false} : vector<2000x64xf32>, vector<64x128xf32>, vector<2000x128xf32> -> vector<2000x128xf32>
    %add3A = arith.addf %dot_general3A_8, %dot_general3A_18 : vector<2000x128xf32>
    %get3A_19 = arith.constant 0 : index
    %get3A_20 = arith.constant 0 : index
    %get3A_21 = arith.constant 0 : index
    %get3A_22 = vector.load %arg3[%get3A_19, %get3A_20, %get3A_21] : memref<1x2000x64xf32, #tpu.memory_space<vmem>>, vector<1x2000x64xf32>
    %get3A_23 = vector.shape_cast %get3A_22 : vector<1x2000x64xf32> to vector<2000x64xf32>
    %mul3A_24 = arith.mulf %get3A_23, %get3A_1 : vector<2000x64xf32>
    %get3A_25 = arith.constant 192 : index
    %get3A_26 = arith.constant 0 : index
    %get3A_27 = vector.load %arg7[%get3A_25, %get3A_26] : memref<384x128xf32, #tpu.memory_space<vmem>>, vector<64x128xf32>
    %dot_general3A_28 = arith.constant dense<0.000000e+00> : vector<2000x128xf32>
    %dot_general3A_29 = tpu.matmul %mul3A_24, %get3A_27, %dot_general3A_28 {dimension_numbers = #tpu.dot_dimension_numbers<[1], [0], [0], [1], [0, 0, 1, 1], [], []>, precision = #tpu.contract_precision<fp32>, transpose_lhs_hint = false} : vector<2000x64xf32>, vector<64x128xf32>, vector<2000x128xf32> -> vector<2000x128xf32>
    %add3A_30 = arith.addf %add3A, %dot_general3A_29 : vector<2000x128xf32>
    %get3A_31 = arith.constant 0 : index
    %get3A_32 = arith.constant 0 : index
    %get3A_33 = arith.constant 0 : index
    %get3A_34 = vector.load %arg4[%get3A_31, %get3A_32, %get3A_33] : memref<1x2000x64xf32, #tpu.memory_space<vmem>>, vector<1x2000x64xf32>
    %get3A_35 = vector.shape_cast %get3A_34 : vector<1x2000x64xf32> to vector<2000x64xf32>
    %mul3A_36 = arith.mulf %get3A_35, %get3A_1 : vector<2000x64xf32>
    %get3A_37 = arith.constant 256 : index
    %get3A_38 = arith.constant 0 : index
    %get3A_39 = vector.load %arg7[%get3A_37, %get3A_38] : memref<384x128xf32, #tpu.memory_space<vmem>>, vector<64x128xf32>
    %dot_general3A_40 = arith.constant dense<0.000000e+00> : vector<2000x128xf32>
    %dot_general3A_41 = tpu.matmul %mul3A_36, %get3A_39, %dot_general3A_40 {dimension_numbers = #tpu.dot_dimension_numbers<[1], [0], [0], [1], [0, 0, 1, 1], [], []>, precision = #tpu.contract_precision<fp32>, transpose_lhs_hint = false} : vector<2000x64xf32>, vector<64x128xf32>, vector<2000x128xf32> -> vector<2000x128xf32>
    %add3A_42 = arith.addf %add3A_30, %dot_general3A_41 : vector<2000x128xf32>
    %get3A_43 = arith.constant 0 : index
    %get3A_44 = arith.constant 0 : index
    %get3A_45 = arith.constant 0 : index
    %get3A_46 = vector.load %arg5[%get3A_43, %get3A_44, %get3A_45] : memref<1x2000x64xf32, #tpu.memory_space<vmem>>, vector<1x2000x64xf32>
    %get3A_47 = vector.shape_cast %get3A_46 : vector<1x2000x64xf32> to vector<2000x64xf32>
    %mul3A_48 = arith.mulf %get3A_47, %get3A_1 : vector<2000x64xf32>
    %get3A_49 = arith.constant 320 : index
    %get3A_50 = arith.constant 0 : index
    %get3A_51 = vector.load %arg7[%get3A_49, %get3A_50] : memref<384x128xf32, #tpu.memory_space<vmem>>, vector<64x128xf32>
    %dot_general3A_52 = arith.constant dense<0.000000e+00> : vector<2000x128xf32>
    %dot_general3A_53 = tpu.matmul %mul3A_48, %get3A_51, %dot_general3A_52 {dimension_numbers = #tpu.dot_dimension_numbers<[1], [0], [0], [1], [0, 0, 1, 1], [], []>, precision = #tpu.contract_precision<fp32>, transpose_lhs_hint = false} : vector<2000x64xf32>, vector<64x128xf32>, vector<2000x128xf32> -> vector<2000x128xf32>
    %add3A_54 = arith.addf %add3A_42, %dot_general3A_53 : vector<2000x128xf32>
    %get3A_55 = arith.constant 0 : index
    %get3A_56 = arith.constant 0 : index
    %get3A_57 = vector.load %arg8[%get3A_55, %get3A_56] : memref<1x128xf32, #tpu.memory_space<vmem>>, vector<1x128xf32>
    %add3A_58 = vector.broadcast %get3A_57 : vector<1x128xf32> to vector<2000x128xf32>
    %add3A_59 = arith.addf %add3A_54, %add3A_58 : vector<2000x128xf32>
    %swap3A = arith.constant 0 : index
    %swap3A_60 = arith.constant 0 : index
    %swap3A_61 = vector.load %arg9[%swap3A, %swap3A_60] : memref<2000x128xf32, #tpu.memory_space<vmem>>, vector<2000x128xf32>
    tpu.vector_store %arg9[%swap3A, %swap3A_60], %add3A_59 {strides = array<i32>} : memref<2000x128xf32, #tpu.memory_space<vmem>>, vector<2000x128xf32>,
    return
  }
  func.func @transform_0(%arg0: i32) -> (i32, i32) {
    %c0_i32 = arith.constant 0 : i32
    %c0_i32_0 = arith.constant 0 : i32
    return %arg0, %c0_i32 : i32, i32
  }
  func.func @transform_1(%arg0: i32) -> (i32, i32, i32) {
    %c0_i32 = arith.constant 0 : i32
    %c0_i32_0 = arith.constant 0 : i32
    %c0_i32_1 = arith.constant 0 : i32
    return %c0_i32, %arg0, %c0_i32_0 : i32, i32, i32
  }
  func.func @transform_2(%arg0: i32) -> (i32, i32, i32) {
    %c1_i32 = arith.constant 1 : i32
    %c0_i32 = arith.constant 0 : i32
    %c0_i32_0 = arith.constant 0 : i32
    return %c1_i32, %arg0, %c0_i32 : i32, i32, i32
  }
  func.func @transform_3(%arg0: i32) -> (i32, i32, i32) {
    %c0_i32 = arith.constant 0 : i32
    %c0_i32_0 = arith.constant 0 : i32
    %c0_i32_1 = arith.constant 0 : i32
    return %c0_i32, %arg0, %c0_i32_0 : i32, i32, i32
  }
  func.func @transform_4(%arg0: i32) -> (i32, i32, i32) {
    %c1_i32 = arith.constant 1 : i32
    %c0_i32 = arith.constant 0 : i32
    %c0_i32_0 = arith.constant 0 : i32
    return %c1_i32, %arg0, %c0_i32 : i32, i32, i32
  }
  func.func @transform_5(%arg0: i32) -> (i32, i32) {
    %c0_i32 = arith.constant 0 : i32
    %c0_i32_0 = arith.constant 0 : i32
    return %arg0, %c0_i32 : i32, i32
  }
  func.func @transform_6(%arg0: i32) -> (i32, i32) {
    %c0_i32 = arith.constant 0 : i32
    %c0_i32_0 = arith.constant 0 : i32
    %c0_i32_1 = arith.constant 0 : i32
    return %c0_i32, %c0_i32_0 : i32, i32
  }
  func.func @transform_7(%arg0: i32) -> (i32, i32) {
    %c0_i32 = arith.constant 0 : i32
    %c0_i32_0 = arith.constant 0 : i32
    %c0_i32_1 = arith.constant 0 : i32
    return %c0_i32, %c0_i32_0 : i32, i32
  }
  func.func @transform_8(%arg0: i32) -> (i32, i32) {
    %c0_i32 = arith.constant 0 : i32
    %c0_i32_0 = arith.constant 0 : i32
    return %arg0, %c0_i32 : i32, i32
  }
}

</mosaic_0001>

<sc_bundles>
// kernel: kernel.11.cloned.1.call-start
scs
__scs_entry_jumppad:
0x0: {  	(pc) =	sbr.rel $0x88, $3  }
0x1: {  	(tag) =	ssettag $0x0;
	lr =	simm.s32 $0x1  }
0x2: {  	[smem:$0x3F9D] =	sst lr;
	_ =	strace $0xD0000000  }
0x3: {  	_ = 	snop  }
0x4: {  	_ = 	snop  }
0x5: {  	_ = 	snop  }
0x6: {  	_ = 	snop  }
0x7: {  	_ = 	snop  }
__scs_overlays_trampoline_lowered:
0x8: {  	[smem:$0x3FAC] =	sst s0  }
0x9: {  	[smem:$0x3FAD] =	sst s1  }
0xa: {  	[smem:$0x3FAE] =	sst s2  }
0xb: {  	[smem:$0x3FAF] =	sst s3  }
0xc: {  	[smem:$0x3FB0] =	sst s4  }
0xd: {  	[smem:$0x3FB1] =	sst s5  }
0xe: {  	[smem:$0x3FB2] =	sst s6  }
0xf: {  	[smem:$0x3FB3] =	sst s7  }
0x10: {  	[smem:$0x3FB4] =	sst s8  }
0x11: {  	[smem:$0x3FB5] =	sst s9;
	s0 =	simm.s32 @!p0 $0x0  }
0x12: {  	s1 =	sld [smem:$0x3F9B];
	s0 =	simm.s32 @p0 $0x1  }
0x13: {  	[smem:$0x3FB6] =	sst s0;
	s0 =	simm.s32 @!p1 $0x0  }
0x14: {  	s2 =	sld [smem:$0x3F9A];
	s0 =	simm.s32 @p1 $0x1  }
0x15: {  	[smem:$0x3FB7] =	sst s0;
	s0 =	simm.s32 @!p2 $0x0  }
0x16: {  	s3 =	sld [smem:$0x3FDB];
	s0 =	simm.s32 @p2 $0x1  }
0x17: {  	s4 =	simm.s32 $0x1BF5;
	[smem:$0x3FB9] =	sst s0  }
0x18: {  	s0 =	sld [smem:$0x3F9C];
	_ =	swait.ge [sflag:s4], $0x0  }
0x19: {  	s7 =	sld [smem:$0x3F9D]  }
0x1a: {  	s8 =	sadd.s32 $0xFFFFE003, lr  }
0x1b: {  	s9 =	sadd.s32 $0xFFFFFEF7, lr;
	s5 =	simm.s32 $0xFFFFFFFF;
	p2 =	slt.u32 s8, $0xFFFFF086  }
0x1c: {  	p1 =	slt.u32 s9, $0xF7A;
	s5 =	simm.s32 @!p2 $0x0  }
0x1d: {  	s5 =	simm.s32 @p1 $0x1;
	p0 =	seq.s32 s7, s2  }
0x1e: {  	s7 =	smul.u32 @!p0 $0xF7A, s2;
	p2 =	seq.s32 @!p0 s5, $0x0  }
0x1f: {  	s9 =	smul.u32 $0xF7A, s1;
	s8 =	simm.s32 @!p0 $0x1BF5;
	p2 =	por !p2, p0  }
0x20: {  	[sflag:s8] =	ssyncset.s32 @!p0 $0xFFFFF086;
	s6 =	sadd.s32 @!p0 s3, s7;
	s7 =	simm.s32 @!p0 $0x108  }
0x21: {  	s3 =	sadd.s32 s3, s9;
	s6 =	sadd.s32 @!p0 $0x88, s6;
	s7 =	simm.s32 @p2 $0x1082  }
0x22: {  	[simem:s7], [sflag:s8] =	dma.local @!p0 [hbm:s6], $0xF7A  }
0x23: {  	s9 =	sor.u32 $0xD0000000, s2;
	s6 =	simm.s32 $0x108;
	_ =	swait.ge @!p0 [sflag:s8], $0x0  }
0x24: {  	s3 =	sadd.s32 $0x88, s3;
	s6 =	simm.s32 @!p1 $0x1082;
	[sflag:s4] =	ssyncset.s32 $0xFFFFF086  }
0x25: {  	[simem:s6], [sflag:s4] =	dma.local [hbm:s3], $0xF7A  }
0x26: {  	[smem:$0x3F9D] =	sst s1;
	(tag) =	ssettag s2;
	_ =	strace s9  }
0x27: {  	s1 =	sld [smem:$0x3FAD]  }
0x28: {  	s2 =	sld [smem:$0x3FAE]  }
0x29: {  	s4 =	sld [smem:$0x3FB0]  }
0x2a: {  	p0 =	seq.s32 s5, $0x0;
	s5 =	sld [smem:$0x3FB1]  }
0x2b: {  	s6 =	sld [smem:$0x3FB2]  }
0x2c: {  	s7 =	sld [smem:$0x3FB3]  }
0x2d: {  	s3 =	simm.s32 $0x108;
	s8 =	sld [smem:$0x3FB4]  }
0x2e: {  	s3 =	simm.s32 @!p0 $0x1082;
	s9 =	sld [smem:$0x3FB5]  }
0x2f: {  	lr =	sadd.s32 s0, s3;
	s0 =	sld [smem:$0x3FAC]  }
0x30: {  	s3 =	sld [smem:$0x3FAF]  }
0x31: {  	[smem:$0x3FB8] =	sst s10  }
0x32: {  	s10 =	sld [smem:$0x3FB6];
	_ =	sdelay $0x3  }
0x33: {  	p0 =	seq.s32 s10, $0x1;
	s10 =	sld [smem:$0x3FB8];
	_ =	sdelay $0x3  }
0x34: {  	[smem:$0x3FB8] =	sst s10  }
0x35: {  	s10 =	sld [smem:$0x3FB7];
	_ =	sdelay $0x3  }
0x36: {  	p1 =	seq.s32 s10, $0x1;
	s10 =	sld [smem:$0x3FB8];
	_ =	sdelay $0x3  }
0x37: {  	[smem:$0x3FB8] =	sst s10  }
0x38: {  	s10 =	sld [smem:$0x3FB9]  }
0x39: {  	_ = 	snop;
	(pc) =	sbr.ind lr, $3  }
0x3a: {  	_ = 	snop  }
0x3b: {  	_ = 	snop  }
0x3c: {  	p2 =	seq.s32 s10, $0x1;
	s10 =	sld [smem:$0x3FB8]  }
0x3d: {  	_ =	shalt  }
0x3e: {  	_ =	shalt  }
0x3f: {  	_ =	shalt  }
0x40: {  	_ =	shalt  }
0x41: {  	_ =	shalt  }
0x42: {  	_ =	shalt  }
0x43: {  	_ =	shalt  }
0x44: {  	_ =	shalt  }
0x45: {  	_ =	shalt  }
0x46: {  	_ =	shalt  }
0x47: {  	_ =	shalt  }
0x48: {  	_ =	shalt  }
0x49: {  	_ =	shalt  }
0x4a: {  	_ =	shalt  }
0x4b: {  	_ =	shalt  }
0x4c: {  	_ =	shalt  }
0x4d: {  	_ =	shalt  }
0x4e: {  	_ =	shalt  }
0x4f: {  	_ =	shalt  }
0x50: {  	_ =	shalt  }
0x51: {  	_ =	shalt  }
0x52: {  	_ =	shalt  }
0x53: {  	_ =	shalt  }
0x54: {  	_ =	shalt  }
0x55: {  	_ =	shalt  }
0x56: {  	_ =	shalt  }
0x57: {  	_ =	shalt  }
0x58: {  	_ =	shalt  }
0x59: {  	_ =	shalt  }
0x5a: {  	_ =	shalt  }
0x5b: {  	_ =	shalt  }
0x5c: {  	_ =	shalt  }
0x5d: {  	_ =	shalt  }
0x5e: {  	_ =	shalt  }
0x5f: {  	_ =	shalt  }
0x60: {  	_ =	shalt  }
0x61: {  	_ =	shalt  }
0x62: {  	_ =	shalt  }
0x63: {  	_ =	shalt  }
0x64: {  	_ =	shalt  }
0x65: {  	_ =	shalt  }
0x66: {  	_ =	shalt  }
0x67: {  	_ =	shalt  }
0x68: {  	_ =	shalt  }
0x69: {  	_ =	shalt  }
0x6a: {  	_ =	shalt  }
0x6b: {  	_ =	shalt  }
0x6c: {  	_ =	shalt  }
0x6d: {  	_ =	shalt  }
0x6e: {  	_ =	shalt  }
0x6f: {  	_ =	shalt  }
0x70: {  	_ =	shalt  }
0x71: {  	_ =	shalt  }
0x72: {  	_ =	shalt  }
0x73: {  	_ =	shalt  }
0x74: {  	_ =	shalt  }
0x75: {  	_ =	shalt  }
0x76: {  	_ =	shalt  }
0x77: {  	_ =	shalt  }
0x78: {  	_ =	shalt  }
0x79: {  	_ =	shalt  }
0x7a: {  	_ =	shalt  }
0x7b: {  	_ =	shalt  }
0x7c: {  	_ =	shalt  }
0x7d: {  	_ =	shalt  }
0x7e: {  	_ =	shalt  }
0x7f: {  	_ =	shalt  }
0x80: {  	_ =	shalt  }
0x81: {  	_ =	shalt  }
0x82: {  	_ =	shalt  }
0x83: {  	_ =	shalt  }
0x84: {  	_ =	shalt  }
0x85: {  	_ =	shalt  }
0x86: {  	_ =	shalt  }
0x87: {  	_ =	shalt  }
.Lfunc_end0:
.L_simem_size_0:
called_computation.1_lowered:
.L_overlay_start_0:
0x88: {  	s2 =	sld [smem:$0x3FD9]  }
0x89: {  	s3 =	sld [smem:$0x3FFE];
	_ =	sdelay $0x1  }
0x8a: {  	s1 =	srdreg.scid  }
0x8b: {  	s0 =	sand.u32 $0x1, s1  }
0x8c: {  	s17 =	sshll.u32 s0, $0xA;
	s2 =	sadd.s32 s3, s2  }
0x8d: {  	s2 =	sadd.s32 s2, s17  }
0x8e: {  	[smem:$0x3FC4] =	sst s2  }
0x8f: {  	_ = 	snop  }
0x90: {  	s2 =	sld [smem:$0x3FD0];
	(tm) =	ssettm $0x1  }
0x91: {  	s18 =	sld [smem:$0x3FFB];
	_ =	sdelay $0x3  }
0x92: {  	_ =	strace s18  }
0x93: {  	s3 =	sld [smem:$0x3FFC];
	_ =	sdelay $0x3  }
0x94: {  	_ =	strace s3  }
0x95: {  	s3 =	sld [smem:$0x3FFD];
	_ =	sdelay $0x3  }
0x96: {  	_ =	strace s3  }
0x97: {  	_ =	strace $0x8FFFFFFF  }
0x98: {  	s19 =	sld [smem:$0x3FDB];
	_ =	sdelay $0x1  }
0x99: {  	s4 =	simm.s32 $_scs_section_size  }
0x9a: {  	s5 =	simm.s32 $_size__tile_overlayer_lowered;
	s6 =	simm.s32 $_tile_overlayer_lowered  }
0x9b: {  	s22 =	simm.s32 $0x1BFF;
	s21 =	sshll.u32 s6, $0x1;
	s3 =	sadd.s32 s4, s19  }
0x9c: {  	s7 =	simm.s32 $0x0;
	s20 =	sshll.u32 s5, $0x1;
	s5 =	sadd.s32 s21, s3  }
0x9d: {  	[timem:s7], [sflag:s22] =	dma.local [hbm:s5], s20  }
0x9e: {  	_ =	swait.ge [sflag:s22], s20  }
0x9f: {  	s4 =	ssub.s32 $0x0, s20;
	[sflag:s22] =	ssyncset.done $0x0  }
0xa0: {  	[sflag:s22] =	ssyncadd.s32 s4;
	_ =	sdelay $0x1  }
0xa1: {  	s23 =	simm.s32 $0x1B8B  }
0xa2: {  	_ =	swait.ge [sflag:s23], $0x1  }
0xa3: {  	[sflag:s23] =	ssyncset.done $0x0  }
0xa4: {  	s25 =	simm.s32 $0x1B8E;
	s24 =	sld [smem:$0x3FFE];
	[sflag:s23] =	ssyncadd.s32 $0xFFFFFFFF  }
0xa5: {  	s26 =	simm.s32 $execute0_lowered;
	[smem:$0x3FD2] =	sst s25  }
0xa6: {  	s5 =	sshll.u32 s26, $0x1;
	_ =	strace $0x80000049;
	[dreg:$0x1] =	wrdreg $0xFFFFFFFF  }
0xa7: {  	s28 =	simm.s32 $_size_execute0_lowered;
	s3 =	sadd.s32 s3, s5;
	[dreg:$0x0] =	wrdreg $0x0  }
0xa8: {  	s5 =	sshll.u32 s28, $0x1;
	[dreg:$0x2] =	wrdreg s3  }
0xa9: {  	[dreg:$0x3] =	wrdreg s5  }
0xaa: {  	[dreg:$0x4] =	wrdreg $0xC0  }
0xab: {  	_ =	task [dreg:s7], $0x5FFFF  }
0xac: {  	[dreg:$0x1] =	wrdreg $0xFFFFFFFF  }
0xad: {  	[dreg:$0x0] =	wrdreg $0x60  }
0xae: {  	[dreg:$0x2] =	wrdreg s24  }
0xaf: {  	[dreg:$0x3] =	wrdreg s2  }
0xb0: {  	[dreg:$0x4] =	wrdreg $0x160000  }
0xb1: {  	[dreg:$0x5] =	wrdreg $0x9  }
0xb2: {  	_ =	task.clear_ibuf [dreg:s7], $0x6FFFF;
	_ =	strace $0x90000049  }
0xb3: {  	s29 =	simm.s32 $0x9;
	_ =	strace $0x8000004B  }
0xb4: {  	_ =	swait.ge [sflag:s29], $0x1  }
0xb5: {  	[sflag:s29] =	ssyncadd.s32 $0xFFFFFFFF  }
0xb6: {  	_ =	strace $0x9000004B  }
0xb7: {  	_ =	sfence  }
0xb8: {  	s30 =	sld [smem:$0x0];
	_ =	sdelay $0x2  }
0xb9: {  	s31 =	sshll.u32 s1, $0xD;
	s1 =	sshrl.u32 s1, $0x2  }
0xba: {  	s3 =	sand.u32 $0x4000, s31;
	s1 =	sadd.s32 s1, s30  }
0xbb: {  	s0 =	sor.u32 s3, s0;
	s1 =	sshll.u32 s1, $0x11  }
0xbc: {  	s0 =	sor.u32 s1, s0  }
0xbd: {  	s0 =	sadd.s32 $0x8F2B, s0  }
0xbe: {  	[sflag:s0] =	ssyncadd.remote.s32 $0x1  }
0xbf: {  	_ =	sfence.sel $0xFFFF  }
0xc0: {  	[dreg:$0x0] =	wrdreg $0xFFFFFFFF;
	(pc) =	sbr.abs _section_cstart, $3  }
0xc1: {  	[dreg:$0x1] =	wrdreg $0xFFFFFFFF  }
0xc2: {  	_ =	task.clear_ibuf [dreg:s7], $0x2FFFF;
	_ =	strace $0x9FFFFFFF  }
0xc3: {  	(tm) =	ssettm $0x7FFFFFFF  }
tec
execute0_lowered:
.L_overlay_start_1:
0x0: {  	(tag) =	ssettag $0x1  }
0x1: {  	s0 =	rddreg [dreg:$0x0]  }
0x2: {  	s2 =	rddreg [dreg:$0x1]  }
0x3: {  	s1 =	rddreg [dreg:$0x2]  }
0x4: {  	s3 =	srdreg.scid;
	s12 =	stileid.u32  }
0x5: {  	s13 =	simm.s32 $0x5000;
	s14 =	simm.s32 $0x100;
	s15 =	simm.s32 $0xA000  }
0x6: {  	s16 =	simm.s32 $0x1;
	s17 =	simm.s32 $0xE000;
	s18 =	simm.s32 $0x2  }
0x7: {  	s21 =	simm.s32 $0x12000;
	s22 =	simm.s32 $0x3;
	s28 =	simm.s32 $0x6  }
0x8: {  	s29 =	simm.s32 $0x9E00;
	s30 =	simm.s32 $0x4F00;
	s31 =	simm.s32 $0x9F00  }
0x9: {  	s4 =	sand.u32 $0x1, s3;
	s3 =	simm.s32 $0x0;
	s6 =	smul.u32 $0x9E00, s12  }
0xa: {  	s8 =	smul.u32 $0xA00, s12;
	s26 =	sshll.u32 s12, $0x6;
	s12 =	simm.s32 $0x7  }
0xb: {  	s5 =	smul.u32 $0x9E000, s4;
	[smem:$0x7FF] =	sst s3;
	s4 =	ssub.s32 $0x2, s4  }
0xc: {  	_ =	strace $0x8000004A;
	s23 =	sadd.s32 s8, s0;
	s24 =	sshrl.u32 s4, $0x1  }
0xd: {  	s25 =	sshrl.u32 s6, $0x3;
	s11 =	sadd.s32 s6, s1;
	s7 =	sshrl.u32 s5, $0x3  }
0xe: {  	s5 =	sadd.s32 s6, s5;
	s10 =	ssub.s32 s4, s24;
	s4 =	sadd.s32 s2, s25  }
0xf: {  	s6 =	sadd.s32 $0x11000, s23;
	s11 =	sshrl.u32 s11, $0x3;
	s24 =	simm.s32 $0x4  }
0x10: {  	s25 =	simm.s32 $0x300;
	s9 =	sadd.s32 s7, s0;
	s5 =	sshrl.u32 s5, $0x3  }
0x11: {  	s7 =	sadd.s32 $0x1E00, s23;
	s10 =	smax.u32 s10, $0x1;
	s23 =	simm.s32 $0x5200  }
0x12: {  	s0 =	sadd.s32 s5, s0;
	s5 =	sor.u32 $0x1C07, s26;
	s8 =	sadd.s32 $0x1B000, s9  }
0x13: {  	s26 =	simm.s32 $0x5;
	s9 =	sadd.s32 $0x42800, s0;
	s0 =	simm.s32 $0x0  }
.LBB2_1:
0x14: {  	[spmem:s11], [sflag:s5] =	dma.local [hbm:s4], $0x13C0  }
0x15: {  	_ =	swait.ge [sflag:s12], $0x13C0  }
0x16: {  	[sflag:s12] =	ssyncset.done $0x0  }
0x17: {  	[sflag:s12] =	ssyncadd.s32 $0xFFFFEC40  }
0x18: {  	[tilespmem:s3], [sflag:$0x7] =	stream.linear.gather [hbm4b:s6+s3], $0x5000, $0x38;
	[tilespmem:$0x1FE00] =	vst v63  }
0x19: {  	_ =	swait.ge [sflag:s12], $0x5000  }
0x1a: {  	[sflag:s12] =	ssyncset.done $0x0  }
0x1b: {  	[sflag:s12] =	ssyncadd.s32 $0xFFFFB000  }
0x1c: {  	[tilespmem:s13], [sflag:$0x7] =	stream.linear.gather [hbm4b:s7+s3], $0x5000, $0x38;
	[tilespmem:$0x1FE00] =	vst v63  }
0x1d: {  	_ =	swait.ge [sflag:s12], $0x5000  }
0x1e: {  	[sflag:s12] =	ssyncset.done $0x0  }
0x1f: {  	[sflag:s12] =	ssyncadd.s32 $0xFFFFB000  }
0x20: {  	[bflag:$0x0] =	sbarrier.arrive $0xFFFF  }
0x21: {  	[tilespmem:s15], [sflag:$0x1] =	stream.indirect.gather [hbm4b:s8+s14], $0x40, s3, s14, $0xb8;
	[tilespmem:$0x1FE00] =	vst v63  }
0x22: {  	_ =	swait.ge [sflag:s16], $0x4000  }
0x23: {  	[sflag:s16] =	ssyncset.done $0x0  }
0x24: {  	[sflag:s16] =	ssyncadd.s32 $0xFFFFC000  }
0x25: {  	[spmem:s1] =	stream.indirect.scatter.add.f32 [tilespmem:s15], [sflag:$0x4], $0x40, s13, s14, $0xb8;
	[tilespmem:$0x1FE00] =	vst v63  }
0x26: {  	_ = 	snop  }
0x27: {  	[tilespmem:s17], [sflag:$0x2] =	stream.indirect.gather [hbm4b:s8+s14], $0x40, s14, s14, $0xb8;
	[tilespmem:$0x1FE00] =	vst v63  }
0x28: {  	_ =	swait.ge [sflag:s18], $0x4000  }
0x29: {  	[sflag:s18] =	ssyncset.done $0x0  }
0x2a: {  	s2 =	simm.s32 $0x5100;
	[sflag:s18] =	ssyncadd.s32 $0xFFFFC000  }
0x2b: {  	[spmem:s1] =	stream.indirect.scatter.add.f32 [tilespmem:s17], [sflag:$0x5], $0x40, s2, s14, $0xb8;
	[tilespmem:$0x1FE00] =	vst v63  }
0x2c: {  	s19 =	simm.s32 $0x200  }
0x2d: {  	[tilespmem:s21], [sflag:$0x3] =	stream.indirect.gather [hbm4b:s8+s14], $0x40, s19, s14, $0xb8;
	[tilespmem:$0x1FE00] =	vst v63  }
0x2e: {  	_ =	swait.ge [sflag:s22], $0x4000  }
0x2f: {  	[sflag:s22] =	ssyncset.done $0x0  }
0x30: {  	[sflag:s22] =	ssyncadd.s32 $0xFFFFC000  }
0x31: {  	[spmem:s1] =	stream.indirect.scatter.add.f32 [tilespmem:s21], [sflag:$0x6], $0x40, s23, s14, $0xb8;
	[tilespmem:$0x1FE00] =	vst v63  }
0x32: {  	_ =	swait.ge [sflag:s24], $0x4000  }
0x33: {  	[sflag:s24] =	ssyncset.done $0x0  }
0x34: {  	[sflag:s24] =	ssyncadd.s32 $0xFFFFC000  }
0x35: {  	[tilespmem:s15], [sflag:$0x1] =	stream.indirect.gather [hbm4b:s8+s14], $0x40, s25, s14, $0xb8;
	[tilespmem:$0x1FE00] =	vst v63  }
0x36: {  	_ =	swait.ge [sflag:s16], $0x4000  }
0x37: {  	[sflag:s16] =	ssyncset.done $0x0  }
0x38: {  	s20 =	simm.s32 $0x5300;
	[sflag:s16] =	ssyncadd.s32 $0xFFFFC000  }
0x39: {  	[spmem:s1] =	stream.indirect.scatter.add.f32 [tilespmem:s15], [sflag:$0x4], $0x40, s20, s14, $0xb8;
	[tilespmem:$0x1FE00] =	vst v63  }
0x3a: {  	_ =	swait.ge [sflag:s26], $0x4000  }
0x3b: {  	[sflag:s26] =	ssyncset.done $0x0  }
0x3c: {  	s19 =	simm.s32 $0x400;
	[sflag:s26] =	ssyncadd.s32 $0xFFFFC000  }
0x3d: {  	[tilespmem:s17], [sflag:$0x2] =	stream.indirect.gather [hbm4b:s8+s14], $0x40, s19, s14, $0xb8;
	[tilespmem:$0x1FE00] =	vst v63  }
0x3e: {  	_ =	swait.ge [sflag:s18], $0x4000  }
0x3f: {  	[sflag:s18] =	ssyncset.done $0x0  }
0x40: {  	s20 =	simm.s32 $0x5400;
	[sflag:s18] =	ssyncadd.s32 $0xFFFFC000  }
0x41: {  	[spmem:s1] =	stream.indirect.scatter.add.f32 [tilespmem:s17], [sflag:$0x5], $0x40, s20, s14, $0xb8;
	[tilespmem:$0x1FE00] =	vst v63  }
0x42: {  	_ =	swait.ge [sflag:s28], $0x4000  }
0x43: {  	[sflag:s28] =	ssyncset.done $0x0  }
0x44: {  	s19 =	simm.s32 $0x500;
	[sflag:s28] =	ssyncadd.s32 $0xFFFFC000  }
0x45: {  	[tilespmem:s21], [sflag:$0x3] =	stream.indirect.gather [hbm4b:s8+s14], $0x40, s19, s14, $0xb8;
	[tilespmem:$0x1FE00] =	vst v63  }
0x46: {  	_ =	swait.ge [sflag:s22], $0x4000  }
0x47: {  	[sflag:s22] =	ssyncset.done $0x0  }
0x48: {  	s20 =	simm.s32 $0x5500;
	[sflag:s22] =	ssyncadd.s32 $0xFFFFC000  }
0x49: {  	[spmem:s1] =	stream.indirect.scatter.add.f32 [tilespmem:s21], [sflag:$0x6], $0x40, s20, s14, $0xb8;
	[tilespmem:$0x1FE00] =	vst v63  }
0x4a: {  	_ =	swait.ge [sflag:s24], $0x4000  }
0x4b: {  	[sflag:s24] =	ssyncset.done $0x0  }
0x4c: {  	s2 =	simm.s32 $0xC00;
	s19 =	simm.s32 $0x600;
	[sflag:s24] =	ssyncadd.s32 $0xFFFFC000  }
.LBB2_2:
0x4d: {  	[tilespmem:s15], [sflag:$0x1] =	stream.indirect.gather [hbm4b:s8+s14], $0x40, s19, s14, $0xb8;
	[tilespmem:$0x1FE00] =	vst v63  }
0x4e: {  	s19 =	smov.u32 s2  }
0x4f: {  	p0 =	sne.s32 s2, $0x12000;
	s2 =	sadd.s32 $0xC00, s2;
	_ =	swait.ge [sflag:s16], $0x4000  }
0x50: {  	s19 =	sshra.s32 s19, $0x2;
	[sflag:s16] =	ssyncset.done $0x0  }
0x51: {  	s20 =	sadd.s32 $0x5300, s19;
	[sflag:s16] =	ssyncadd.s32 $0xFFFFC000  }
0x52: {  	[spmem:s1] =	stream.indirect.scatter.add.f32 [tilespmem:s15], [sflag:$0x4], $0x40, s20, s14, $0xb8;
	[tilespmem:$0x1FE00] =	vst v63  }
0x53: {  	_ =	swait.ge [sflag:s26], $0x4000  }
0x54: {  	[sflag:s26] =	ssyncset.done $0x0  }
0x55: {  	s20 =	sadd.s32 $0x400, s19;
	[sflag:s26] =	ssyncadd.s32 $0xFFFFC000  }
0x56: {  	[tilespmem:s17], [sflag:$0x2] =	stream.indirect.gather [hbm4b:s8+s14], $0x40, s20, s14, $0xb8;
	[tilespmem:$0x1FE00] =	vst v63  }
0x57: {  	_ =	swait.ge [sflag:s18], $0x4000  }
0x58: {  	[sflag:s18] =	ssyncset.done $0x0  }
0x59: {  	s20 =	sadd.s32 $0x5400, s19;
	[sflag:s18] =	ssyncadd.s32 $0xFFFFC000  }
0x5a: {  	[spmem:s1] =	stream.indirect.scatter.add.f32 [tilespmem:s17], [sflag:$0x5], $0x40, s20, s14, $0xb8;
	[tilespmem:$0x1FE00] =	vst v63  }
0x5b: {  	_ =	swait.ge [sflag:s28], $0x4000  }
0x5c: {  	[sflag:s28] =	ssyncset.done $0x0  }
0x5d: {  	s20 =	sadd.s32 $0x500, s19;
	[sflag:s28] =	ssyncadd.s32 $0xFFFFC000  }
0x5e: {  	[tilespmem:s21], [sflag:$0x3] =	stream.indirect.gather [hbm4b:s8+s14], $0x40, s20, s14, $0xb8;
	[tilespmem:$0x1FE00] =	vst v63  }
0x5f: {  	_ =	swait.ge [sflag:s22], $0x4000  }
0x60: {  	[sflag:s22] =	ssyncset.done $0x0  }
.Ltmp0:
0x61: {  	s20 =	sadd.s32 $0x5500, s19;
	[sflag:s22] =	ssyncadd.s32 $0xFFFFC000;
	(pc) =	sbr.rel @p0 .LBB2_2-.Ltmp0, $4  }
0x62: {  	[spmem:s1] =	stream.indirect.scatter.add.f32 [tilespmem:s21], [sflag:$0x6], $0x40, s20, s14, $0xb8;
	[tilespmem:$0x1FE00] =	vst v63  }
0x63: {  	_ =	swait.ge [sflag:s24], $0x4000  }
0x64: {  	[sflag:s24] =	ssyncset.done $0x0  }
0x65: {  	s19 =	sadd.s32 $0x600, s19;
	[sflag:s24] =	ssyncadd.s32 $0xFFFFC000  }
0x66: {  	[tilespmem:s15], [sflag:$0x1] =	stream.indirect.gather [hbm4b:s8+s14], $0x40, s19, s14, $0xb8;
	[tilespmem:$0x1FE00] =	vst v63  }
0x67: {  	_ =	swait.ge [sflag:s16], $0x4000  }
0x68: {  	[sflag:s16] =	ssyncset.done $0x0  }
0x69: {  	[sflag:s16] =	ssyncadd.s32 $0xFFFFC000  }
0x6a: {  	[spmem:s1] =	stream.indirect.scatter.add.f32 [tilespmem:s15], [sflag:$0x4], $0x40, s29, s14, $0xb8;
	[tilespmem:$0x1FE00] =	vst v63  }
0x6b: {  	_ =	swait.ge [sflag:s26], $0x4000  }
0x6c: {  	[sflag:s26] =	ssyncset.done $0x0  }
0x6d: {  	[sflag:s26] =	ssyncadd.s32 $0xFFFFC000  }
0x6e: {  	[tilespmem:s17], [sflag:$0x2] =	stream.indirect.gather [hbm4b:s8+s14], $0x40, s30, s14, $0xb8;
	[tilespmem:$0x1FE00] =	vst v63  }
0x6f: {  	_ =	swait.ge [sflag:s18], $0x4000  }
0x70: {  	[sflag:s18] =	ssyncset.done $0x0  }
0x71: {  	[sflag:s18] =	ssyncadd.s32 $0xFFFFC000  }
0x72: {  	[spmem:s1] =	stream.indirect.scatter.add.f32 [tilespmem:s17], [sflag:$0x5], $0x40, s31, s14, $0xb8;
	[tilespmem:$0x1FE00] =	vst v63  }
0x73: {  	_ =	swait.ge [sflag:s28], $0x4000  }
0x74: {  	[sflag:s28] =	ssyncset.done $0x0  }
0x75: {  	[sflag:s28] =	ssyncadd.s32 $0xFFFFC000  }
0x76: {  	_ =	swait.ge [sflag:s24], $0x4000  }
0x77: {  	[sflag:s24] =	ssyncset.done $0x0  }
0x78: {  	[sflag:s24] =	ssyncadd.s32 $0xFFFFC000  }
0x79: {  	_ =	swait.ge [sflag:s26], $0x4000  }
0x7a: {  	s0 =	sadd.s32 $0x1, s0;
	[sflag:s26] =	ssyncset.done $0x0  }
0x7b: {  	p0 =	sne.s32 s0, s10;
	[sflag:s26] =	ssyncadd.s32 $0xFFFFC000  }
.Ltmp1:
0x7c: {  	[bflag:$0x0] =	sbarrier.arrive $0xFFFF;
	(pc) =	sbr.rel @p0 .LBB2_1-.Ltmp1, $4  }
0x7d: {  	[hbm:s9], [sflag:s5] =	dma.local [spmem:s11], $0x13C0  }
0x7e: {  	_ =	swait.ge [sflag:s12], $0x13C0  }
0x7f: {  	[sflag:s12] =	ssyncset.done $0x0  }
0x80: {  	[sflag:s12] =	ssyncadd.s32 $0xFFFFEC40  }
0x81: {  	_ =	sfence.sel $0x180000  }
0x82: {  	[bflag:$0x0] =	sbarrier.arrive $0xFFFF  }
0x83: {  	_ =	strace $0x9000004A  }
0x84: {  	s0 =	stileid.u32;
	[bflag:$0x2] =	sbarrier.arrive $0xFFFF  }
0x85: {  	p0 =	sne.s32 s0, $0x0;
	s0 =	rddreg [dreg:$0x3]  }
0x86: {  	s0 =	sadd.s32 @!p0 $0x100000, s0  }
0x87: {  	[sflag:s0] =	ssyncadd.tile.s32 @!p0 $0x1;
	_ =	shalt  }
.Lfunc_end2:
_tile_overlayer_lowered:
.L_overlay_start_2:
0x88: {  	(tag) =	ssettag $0x2  }
0x89: {  	s0 =	rddreg [dreg:$0x0];
	s2 =	stileid.u32  }
0x8a: {  	s1 =	rddreg [dreg:$0x1];
	p0 =	sne.s32 s2, $0x0  }
0x8b: {  	s3 =	rddreg [dreg:$0x2];
	[bflag:$0x3] =	sbarrier.arrive $0xFFFF;
	s2 =	simm.s32 @!p0 $0x1C07  }
0x8c: {  	[timem:s3], [sflag:s2] =	dma.local @!p0 [hbm:s0], s1  }
0x8d: {  	s0 =	simm.s32 @!p0 $0x7  }
0x8e: {  	_ =	swait.ge @!p0 [sflag:s0], s1  }
0x8f: {  	s1 =	ssub.s32 @!p0 $0x0, s1;
	[sflag:s0] =	ssyncset.done @!p0 $0x0  }
0x90: {  	[sflag:s0] =	ssyncadd.s32 @!p0 s1  }
0x91: {  	[bflag:$0x3] =	sbarrier.arrive $0xFFFF  }
0x92: {  	_ =	shalt  }

// kernel: kernel.14.cloned.1.call-start
scs
__scs_entry_jumppad:
0x0: {  	(pc) =	sbr.rel $0x88, $3  }
0x1: {  	(tag) =	ssettag $0x0;
	lr =	simm.s32 $0x1  }
0x2: {  	[smem:$0x3F9D] =	sst lr;
	_ =	strace $0xD0000000  }
0x3: {  	_ = 	snop  }
0x4: {  	_ = 	snop  }
0x5: {  	_ = 	snop  }
0x6: {  	_ = 	snop  }
0x7: {  	_ = 	snop  }
__scs_overlays_trampoline_lowered:
0x8: {  	[smem:$0x3FAC] =	sst s0  }
0x9: {  	[smem:$0x3FAD] =	sst s1  }
0xa: {  	[smem:$0x3FAE] =	sst s2  }
0xb: {  	[smem:$0x3FAF] =	sst s3  }
0xc: {  	[smem:$0x3FB0] =	sst s4  }
0xd: {  	[smem:$0x3FB1] =	sst s5  }
0xe: {  	[smem:$0x3FB2] =	sst s6  }
0xf: {  	[smem:$0x3FB3] =	sst s7  }
0x10: {  	[smem:$0x3FB4] =	sst s8  }
0x11: {  	[smem:$0x3FB5] =	sst s9;
	s0 =	simm.s32 @!p0 $0x0  }
0x12: {  	s1 =	sld [smem:$0x3F9B];
	s0 =	simm.s32 @p0 $0x1  }
0x13: {  	[smem:$0x3FB6] =	sst s0;
	s0 =	simm.s32 @!p1 $0x0  }
0x14: {  	s2 =	sld [smem:$0x3F9A];
	s0 =	simm.s32 @p1 $0x1  }
0x15: {  	[smem:$0x3FB7] =	sst s0;
	s0 =	simm.s32 @!p2 $0x0  }
0x16: {  	s3 =	sld [smem:$0x3FDB];
	s0 =	simm.s32 @p2 $0x1  }
0x17: {  	s4 =	simm.s32 $0x1BF5;
	[smem:$0x3FB9] =	sst s0  }
0x18: {  	s0 =	sld [smem:$0x3F9C];
	_ =	swait.ge [sflag:s4], $0x0  }
0x19: {  	s7 =	sld [smem:$0x3F9D]  }
0x1a: {  	s8 =	sadd.s32 $0xFFFFE003, lr  }
0x1b: {  	s9 =	sadd.s32 $0xFFFFFEF7, lr;
	s5 =	simm.s32 $0xFFFFFFFF;
	p2 =	slt.u32 s8, $0xFFFFF086  }
0x1c: {  	p1 =	slt.u32 s9, $0xF7A;
	s5 =	simm.s32 @!p2 $0x0  }
0x1d: {  	s5 =	simm.s32 @p1 $0x1;
	p0 =	seq.s32 s7, s2  }
0x1e: {  	s7 =	smul.u32 @!p0 $0xF7A, s2;
	p2 =	seq.s32 @!p0 s5, $0x0  }
0x1f: {  	s9 =	smul.u32 $0xF7A, s1;
	s8 =	simm.s32 @!p0 $0x1BF5;
	p2 =	por !p2, p0  }
0x20: {  	[sflag:s8] =	ssyncset.s32 @!p0 $0xFFFFF086;
	s6 =	sadd.s32 @!p0 s3, s7;
	s7 =	simm.s32 @!p0 $0x108  }
0x21: {  	s3 =	sadd.s32 s3, s9;
	s6 =	sadd.s32 @!p0 $0x88, s6;
	s7 =	simm.s32 @p2 $0x1082  }
0x22: {  	[simem:s7], [sflag:s8] =	dma.local @!p0 [hbm:s6], $0xF7A  }
0x23: {  	s9 =	sor.u32 $0xD0000000, s2;
	s6 =	simm.s32 $0x108;
	_ =	swait.ge @!p0 [sflag:s8], $0x0  }
0x24: {  	s3 =	sadd.s32 $0x88, s3;
	s6 =	simm.s32 @!p1 $0x1082;
	[sflag:s4] =	ssyncset.s32 $0xFFFFF086  }
0x25: {  	[simem:s6], [sflag:s4] =	dma.local [hbm:s3], $0xF7A  }
0x26: {  	[smem:$0x3F9D] =	sst s1;
	(tag) =	ssettag s2;
	_ =	strace s9  }
0x27: {  	s1 =	sld [smem:$0x3FAD]  }
0x28: {  	s2 =	sld [smem:$0x3FAE]  }
0x29: {  	s4 =	sld [smem:$0x3FB0]  }
0x2a: {  	p0 =	seq.s32 s5, $0x0;
	s5 =	sld [smem:$0x3FB1]  }
0x2b: {  	s6 =	sld [smem:$0x3FB2]  }
0x2c: {  	s7 =	sld [smem:$0x3FB3]  }
0x2d: {  	s3 =	simm.s32 $0x108;
	s8 =	sld [smem:$0x3FB4]  }
0x2e: {  	s3 =	simm.s32 @!p0 $0x1082;
	s9 =	sld [smem:$0x3FB5]  }
0x2f: {  	lr =	sadd.s32 s0, s3;
	s0 =	sld [smem:$0x3FAC]  }
0x30: {  	s3 =	sld [smem:$0x3FAF]  }
0x31: {  	[smem:$0x3FB8] =	sst s10  }
0x32: {  	s10 =	sld [smem:$0x3FB6];
	_ =	sdelay $0x3  }
0x33: {  	p0 =	seq.s32 s10, $0x1;
	s10 =	sld [smem:$0x3FB8];
	_ =	sdelay $0x3  }
0x34: {  	[smem:$0x3FB8] =	sst s10  }
0x35: {  	s10 =	sld [smem:$0x3FB7];
	_ =	sdelay $0x3  }
0x36: {  	p1 =	seq.s32 s10, $0x1;
	s10 =	sld [smem:$0x3FB8];
	_ =	sdelay $0x3  }
0x37: {  	[smem:$0x3FB8] =	sst s10  }
0x38: {  	s10 =	sld [smem:$0x3FB9]  }
0x39: {  	_ = 	snop;
	(pc) =	sbr.ind lr, $3  }
0x3a: {  	_ = 	snop  }
0x3b: {  	_ = 	snop  }
0x3c: {  	p2 =	seq.s32 s10, $0x1;
	s10 =	sld [smem:$0x3FB8]  }
0x3d: {  	_ =	shalt  }
0x3e: {  	_ =	shalt  }
0x3f: {  	_ =	shalt  }
0x40: {  	_ =	shalt  }
0x41: {  	_ =	shalt  }
0x42: {  	_ =	shalt  }
0x43: {  	_ =	shalt  }
0x44: {  	_ =	shalt  }
0x45: {  	_ =	shalt  }
0x46: {  	_ =	shalt  }
0x47: {  	_ =	shalt  }
0x48: {  	_ =	shalt  }
0x49: {  	_ =	shalt  }
0x4a: {  	_ =	shalt  }
0x4b: {  	_ =	shalt  }
0x4c: {  	_ =	shalt  }
0x4d: {  	_ =	shalt  }
0x4e: {  	_ =	shalt  }
0x4f: {  	_ =	shalt  }
0x50: {  	_ =	shalt  }
0x51: {  	_ =	shalt  }
0x52: {  	_ =	shalt  }
0x53: {  	_ =	shalt  }
0x54: {  	_ =	shalt  }
0x55: {  	_ =	shalt  }
0x56: {  	_ =	shalt  }
0x57: {  	_ =	shalt  }
0x58: {  	_ =	shalt  }
0x59: {  	_ =	shalt  }
0x5a: {  	_ =	shalt  }
0x5b: {  	_ =	shalt  }
0x5c: {  	_ =	shalt  }
0x5d: {  	_ =	shalt  }
0x5e: {  	_ =	shalt  }
0x5f: {  	_ =	shalt  }
0x60: {  	_ =	shalt  }
0x61: {  	_ =	shalt  }
0x62: {  	_ =	shalt  }
0x63: {  	_ =	shalt  }
0x64: {  	_ =	shalt  }
0x65: {  	_ =	shalt  }
0x66: {  	_ =	shalt  }
0x67: {  	_ =	shalt  }
0x68: {  	_ =	shalt  }
0x69: {  	_ =	shalt  }
0x6a: {  	_ =	shalt  }
0x6b: {  	_ =	shalt  }
0x6c: {  	_ =	shalt  }
0x6d: {  	_ =	shalt  }
0x6e: {  	_ =	shalt  }
0x6f: {  	_ =	shalt  }
0x70: {  	_ =	shalt  }
0x71: {  	_ =	shalt  }
0x72: {  	_ =	shalt  }
0x73: {  	_ =	shalt  }
0x74: {  	_ =	shalt  }
0x75: {  	_ =	shalt  }
0x76: {  	_ =	shalt  }
0x77: {  	_ =	shalt  }
0x78: {  	_ =	shalt  }
0x79: {  	_ =	shalt  }
0x7a: {  	_ =	shalt  }
0x7b: {  	_ =	shalt  }
0x7c: {  	_ =	shalt  }
0x7d: {  	_ =	shalt  }
0x7e: {  	_ =	shalt  }
0x7f: {  	_ =	shalt  }
0x80: {  	_ =	shalt  }
0x81: {  	_ =	shalt  }
0x82: {  	_ =	shalt  }
0x83: {  	_ =	shalt  }
0x84: {  	_ =	shalt  }
0x85: {  	_ =	shalt  }
0x86: {  	_ =	shalt  }
0x87: {  	_ =	shalt  }
.Lfunc_end0:
.L_simem_size_0:
called_computation.2_lowered:
.L_overlay_start_0:
0x88: {  	s2 =	sld [smem:$0x3FD9]  }
0x89: {  	s3 =	sld [smem:$0x3FFE];
	_ =	sdelay $0x1  }
0x8a: {  	s1 =	srdreg.scid  }
0x8b: {  	s0 =	sand.u32 $0x1, s1  }
0x8c: {  	s17 =	sshll.u32 s0, $0xA;
	s2 =	sadd.s32 s3, s2  }
0x8d: {  	s2 =	sadd.s32 s2, s17  }
0x8e: {  	[smem:$0x3FC4] =	sst s2  }
0x8f: {  	_ = 	snop  }
0x90: {  	s2 =	sld [smem:$0x3FD0];
	(tm) =	ssettm $0x1  }
0x91: {  	s18 =	sld [smem:$0x3FFB];
	_ =	sdelay $0x3  }
0x92: {  	_ =	strace s18  }
0x93: {  	s3 =	sld [smem:$0x3FFC];
	_ =	sdelay $0x3  }
0x94: {  	_ =	strace s3  }
0x95: {  	s3 =	sld [smem:$0x3FFD];
	_ =	sdelay $0x3  }
0x96: {  	_ =	strace s3  }
0x97: {  	_ =	strace $0x8FFFFFFF  }
0x98: {  	s19 =	sld [smem:$0x3FDB];
	_ =	sdelay $0x1  }
0x99: {  	s4 =	simm.s32 $_scs_section_size  }
0x9a: {  	s5 =	simm.s32 $_size__tile_overlayer_lowered;
	s6 =	simm.s32 $_tile_overlayer_lowered  }
0x9b: {  	s22 =	simm.s32 $0x1BFF;
	s21 =	sshll.u32 s6, $0x1;
	s3 =	sadd.s32 s4, s19  }
0x9c: {  	s7 =	simm.s32 $0x0;
	s20 =	sshll.u32 s5, $0x1;
	s5 =	sadd.s32 s21, s3  }
0x9d: {  	[timem:s7], [sflag:s22] =	dma.local [hbm:s5], s20  }
0x9e: {  	_ =	swait.ge [sflag:s22], s20  }
0x9f: {  	s4 =	ssub.s32 $0x0, s20;
	[sflag:s22] =	ssyncset.done $0x0  }
0xa0: {  	[sflag:s22] =	ssyncadd.s32 s4;
	_ =	sdelay $0x1  }
0xa1: {  	s23 =	simm.s32 $0x1B8B  }
0xa2: {  	_ =	swait.ge [sflag:s23], $0x1  }
0xa3: {  	[sflag:s23] =	ssyncset.done $0x0  }
0xa4: {  	s25 =	simm.s32 $0x1B8E;
	s24 =	sld [smem:$0x3FFE];
	[sflag:s23] =	ssyncadd.s32 $0xFFFFFFFF  }
0xa5: {  	s26 =	simm.s32 $execute0_lowered;
	[smem:$0x3FD2] =	sst s25  }
0xa6: {  	s5 =	sshll.u32 s26, $0x1;
	_ =	strace $0x8000004C;
	[dreg:$0x1] =	wrdreg $0xFFFFFFFF  }
0xa7: {  	s28 =	simm.s32 $_size_execute0_lowered;
	s3 =	sadd.s32 s3, s5;
	[dreg:$0x0] =	wrdreg $0x0  }
0xa8: {  	s5 =	sshll.u32 s28, $0x1;
	[dreg:$0x2] =	wrdreg s3  }
0xa9: {  	[dreg:$0x3] =	wrdreg s5  }
0xaa: {  	[dreg:$0x4] =	wrdreg $0xC0  }
0xab: {  	_ =	task [dreg:s7], $0x5FFFF  }
0xac: {  	[dreg:$0x1] =	wrdreg $0xFFFFFFFF  }
0xad: {  	[dreg:$0x0] =	wrdreg $0x60  }
0xae: {  	[dreg:$0x2] =	wrdreg s24  }
0xaf: {  	[dreg:$0x3] =	wrdreg s2  }
0xb0: {  	[dreg:$0x4] =	wrdreg $0x160000  }
0xb1: {  	[dreg:$0x5] =	wrdreg $0x9  }
0xb2: {  	_ =	task.clear_ibuf [dreg:s7], $0x6FFFF;
	_ =	strace $0x9000004C  }
0xb3: {  	s29 =	simm.s32 $0x9;
	_ =	strace $0x8000004E  }
0xb4: {  	_ =	swait.ge [sflag:s29], $0x1  }
0xb5: {  	[sflag:s29] =	ssyncadd.s32 $0xFFFFFFFF  }
0xb6: {  	_ =	strace $0x9000004E  }
0xb7: {  	_ =	sfence  }
0xb8: {  	s30 =	sld [smem:$0x0];
	_ =	sdelay $0x2  }
0xb9: {  	s31 =	sshll.u32 s1, $0xD;
	s1 =	sshrl.u32 s1, $0x2  }
0xba: {  	s3 =	sand.u32 $0x4000, s31;
	s1 =	sadd.s32 s1, s30  }
0xbb: {  	s0 =	sor.u32 s3, s0;
	s1 =	sshll.u32 s1, $0x11  }
0xbc: {  	s0 =	sor.u32 s1, s0  }
0xbd: {  	s0 =	sadd.s32 $0x8F2B, s0  }
0xbe: {  	[sflag:s0] =	ssyncadd.remote.s32 $0x1  }
0xbf: {  	_ =	sfence.sel $0xFFFF  }
0xc0: {  	[dreg:$0x0] =	wrdreg $0xFFFFFFFF;
	(pc) =	sbr.abs _section_cstart, $3  }
0xc1: {  	[dreg:$0x1] =	wrdreg $0xFFFFFFFF  }
0xc2: {  	_ =	task.clear_ibuf [dreg:s7], $0x2FFFF;
	_ =	strace $0x9FFFFFFF  }
0xc3: {  	(tm) =	ssettm $0x7FFFFFFF  }
tec
execute0_lowered:
.L_overlay_start_1:
0x0: {  	(tag) =	ssettag $0x1  }
0x1: {  	s0 =	rddreg [dreg:$0x0]  }
0x2: {  	s2 =	rddreg [dreg:$0x1]  }
0x3: {  	s1 =	rddreg [dreg:$0x2]  }
0x4: {  	s3 =	srdreg.scid;
	s12 =	stileid.u32  }
0x5: {  	s13 =	simm.s32 $0x5000;
	s14 =	simm.s32 $0x100;
	s15 =	simm.s32 $0xA000  }
0x6: {  	s16 =	simm.s32 $0x1;
	s17 =	simm.s32 $0xE000;
	s18 =	simm.s32 $0x2  }
0x7: {  	s21 =	simm.s32 $0x12000;
	s22 =	simm.s32 $0x3;
	s28 =	simm.s32 $0x6  }
0x8: {  	s29 =	simm.s32 $0x9E00;
	s30 =	simm.s32 $0x4F00;
	s31 =	simm.s32 $0x9F00  }
0x9: {  	s4 =	sand.u32 $0x1, s3;
	s3 =	simm.s32 $0x0;
	s6 =	smul.u32 $0x9E00, s12  }
0xa: {  	s8 =	smul.u32 $0xA00, s12;
	s26 =	sshll.u32 s12, $0x6;
	s12 =	simm.s32 $0x7  }
0xb: {  	s5 =	smul.u32 $0x9E000, s4;
	[smem:$0x7FF] =	sst s3;
	s4 =	ssub.s32 $0x2, s4  }
0xc: {  	_ =	strace $0x8000004D;
	s23 =	sadd.s32 s8, s0;
	s24 =	sshrl.u32 s4, $0x1  }
0xd: {  	s25 =	sshrl.u32 s6, $0x3;
	s11 =	sadd.s32 s6, s1;
	s7 =	sshrl.u32 s5, $0x3  }
0xe: {  	s5 =	sadd.s32 s6, s5;
	s10 =	ssub.s32 s4, s24;
	s4 =	sadd.s32 s2, s25  }
0xf: {  	s6 =	sadd.s32 $0x11000, s23;
	s11 =	sshrl.u32 s11, $0x3;
	s24 =	simm.s32 $0x4  }
0x10: {  	s25 =	simm.s32 $0x300;
	s9 =	sadd.s32 s7, s0;
	s5 =	sshrl.u32 s5, $0x3  }
0x11: {  	s7 =	sadd.s32 $0x1E00, s23;
	s10 =	smax.u32 s10, $0x1;
	s23 =	simm.s32 $0x5200  }
0x12: {  	s0 =	sadd.s32 s5, s0;
	s5 =	sor.u32 $0x1C07, s26;
	s8 =	sadd.s32 $0x1B000, s9  }
0x13: {  	s26 =	simm.s32 $0x5;
	s9 =	sadd.s32 $0x42800, s0;
	s0 =	simm.s32 $0x0  }
.LBB2_1:
0x14: {  	[spmem:s11], [sflag:s5] =	dma.local [hbm:s4], $0x13C0  }
0x15: {  	_ =	swait.ge [sflag:s12], $0x13C0  }
0x16: {  	[sflag:s12] =	ssyncset.done $0x0  }
0x17: {  	[sflag:s12] =	ssyncadd.s32 $0xFFFFEC40  }
0x18: {  	[tilespmem:s3], [sflag:$0x7] =	stream.linear.gather [hbm4b:s6+s3], $0x5000, $0x38;
	[tilespmem:$0x1FE00] =	vst v63  }
0x19: {  	_ =	swait.ge [sflag:s12], $0x5000  }
0x1a: {  	[sflag:s12] =	ssyncset.done $0x0  }
0x1b: {  	[sflag:s12] =	ssyncadd.s32 $0xFFFFB000  }
0x1c: {  	[tilespmem:s13], [sflag:$0x7] =	stream.linear.gather [hbm4b:s7+s3], $0x5000, $0x38;
	[tilespmem:$0x1FE00] =	vst v63  }
0x1d: {  	_ =	swait.ge [sflag:s12], $0x5000  }
0x1e: {  	[sflag:s12] =	ssyncset.done $0x0  }
0x1f: {  	[sflag:s12] =	ssyncadd.s32 $0xFFFFB000  }
0x20: {  	[bflag:$0x0] =	sbarrier.arrive $0xFFFF  }
0x21: {  	[tilespmem:s15], [sflag:$0x1] =	stream.indirect.gather [hbm4b:s8+s14], $0x40, s3, s14, $0xb8;
	[tilespmem:$0x1FE00] =	vst v63  }
0x22: {  	_ =	swait.ge [sflag:s16], $0x4000  }
0x23: {  	[sflag:s16] =	ssyncset.done $0x0  }
0x24: {  	[sflag:s16] =	ssyncadd.s32 $0xFFFFC000  }
0x25: {  	[spmem:s1] =	stream.indirect.scatter.add.f32 [tilespmem:s15], [sflag:$0x4], $0x40, s13, s14, $0xb8;
	[tilespmem:$0x1FE00] =	vst v63  }
0x26: {  	_ = 	snop  }
0x27: {  	[tilespmem:s17], [sflag:$0x2] =	stream.indirect.gather [hbm4b:s8+s14], $0x40, s14, s14, $0xb8;
	[tilespmem:$0x1FE00] =	vst v63  }
0x28: {  	_ =	swait.ge [sflag:s18], $0x4000  }
0x29: {  	[sflag:s18] =	ssyncset.done $0x0  }
0x2a: {  	s2 =	simm.s32 $0x5100;
	[sflag:s18] =	ssyncadd.s32 $0xFFFFC000  }
0x2b: {  	[spmem:s1] =	stream.indirect.scatter.add.f32 [tilespmem:s17], [sflag:$0x5], $0x40, s2, s14, $0xb8;
	[tilespmem:$0x1FE00] =	vst v63  }
0x2c: {  	s19 =	simm.s32 $0x200  }
0x2d: {  	[tilespmem:s21], [sflag:$0x3] =	stream.indirect.gather [hbm4b:s8+s14], $0x40, s19, s14, $0xb8;
	[tilespmem:$0x1FE00] =	vst v63  }
0x2e: {  	_ =	swait.ge [sflag:s22], $0x4000  }
0x2f: {  	[sflag:s22] =	ssyncset.done $0x0  }
0x30: {  	[sflag:s22] =	ssyncadd.s32 $0xFFFFC000  }
0x31: {  	[spmem:s1] =	stream.indirect.scatter.add.f32 [tilespmem:s21], [sflag:$0x6], $0x40, s23, s14, $0xb8;
	[tilespmem:$0x1FE00] =	vst v63  }
0x32: {  	_ =	swait.ge [sflag:s24], $0x4000  }
0x33: {  	[sflag:s24] =	ssyncset.done $0x0  }
0x34: {  	[sflag:s24] =	ssyncadd.s32 $0xFFFFC000  }
0x35: {  	[tilespmem:s15], [sflag:$0x1] =	stream.indirect.gather [hbm4b:s8+s14], $0x40, s25, s14, $0xb8;
	[tilespmem:$0x1FE00] =	vst v63  }
0x36: {  	_ =	swait.ge [sflag:s16], $0x4000  }
0x37: {  	[sflag:s16] =	ssyncset.done $0x0  }
0x38: {  	s20 =	simm.s32 $0x5300;
	[sflag:s16] =	ssyncadd.s32 $0xFFFFC000  }
0x39: {  	[spmem:s1] =	stream.indirect.scatter.add.f32 [tilespmem:s15], [sflag:$0x4], $0x40, s20, s14, $0xb8;
	[tilespmem:$0x1FE00] =	vst v63  }
0x3a: {  	_ =	swait.ge [sflag:s26], $0x4000  }
0x3b: {  	[sflag:s26] =	ssyncset.done $0x0  }
0x3c: {  	s19 =	simm.s32 $0x400;
	[sflag:s26] =	ssyncadd.s32 $0xFFFFC000  }
0x3d: {  	[tilespmem:s17], [sflag:$0x2] =	stream.indirect.gather [hbm4b:s8+s14], $0x40, s19, s14, $0xb8;
	[tilespmem:$0x1FE00] =	vst v63  }
0x3e: {  	_ =	swait.ge [sflag:s18], $0x4000  }
0x3f: {  	[sflag:s18] =	ssyncset.done $0x0  }
0x40: {  	s20 =	simm.s32 $0x5400;
	[sflag:s18] =	ssyncadd.s32 $0xFFFFC000  }
0x41: {  	[spmem:s1] =	stream.indirect.scatter.add.f32 [tilespmem:s17], [sflag:$0x5], $0x40, s20, s14, $0xb8;
	[tilespmem:$0x1FE00] =	vst v63  }
0x42: {  	_ =	swait.ge [sflag:s28], $0x4000  }
0x43: {  	[sflag:s28] =	ssyncset.done $0x0  }
0x44: {  	s19 =	simm.s32 $0x500;
	[sflag:s28] =	ssyncadd.s32 $0xFFFFC000  }
0x45: {  	[tilespmem:s21], [sflag:$0x3] =	stream.indirect.gather [hbm4b:s8+s14], $0x40, s19, s14, $0xb8;
	[tilespmem:$0x1FE00] =	vst v63  }
0x46: {  	_ =	swait.ge [sflag:s22], $0x4000  }
0x47: {  	[sflag:s22] =	ssyncset.done $0x0  }
0x48: {  	s20 =	simm.s32 $0x5500;
	[sflag:s22] =	ssyncadd.s32 $0xFFFFC000  }
0x49: {  	[spmem:s1] =	stream.indirect.scatter.add.f32 [tilespmem:s21], [sflag:$0x6], $0x40, s20, s14, $0xb8;
	[tilespmem:$0x1FE00] =	vst v63  }
0x4a: {  	_ =	swait.ge [sflag:s24], $0x4000  }
0x4b: {  	[sflag:s24] =	ssyncset.done $0x0  }
0x4c: {  	s2 =	simm.s32 $0xC00;
	s19 =	simm.s32 $0x600;
	[sflag:s24] =	ssyncadd.s32 $0xFFFFC000  }
.LBB2_2:
0x4d: {  	[tilespmem:s15], [sflag:$0x1] =	stream.indirect.gather [hbm4b:s8+s14], $0x40, s19, s14, $0xb8;
	[tilespmem:$0x1FE00] =	vst v63  }
0x4e: {  	s19 =	smov.u32 s2  }
0x4f: {  	p0 =	sne.s32 s2, $0x12000;
	s2 =	sadd.s32 $0xC00, s2;
	_ =	swait.ge [sflag:s16], $0x4000  }
0x50: {  	s19 =	sshra.s32 s19, $0x2;
	[sflag:s16] =	ssyncset.done $0x0  }
0x51: {  	s20 =	sadd.s32 $0x5300, s19;
	[sflag:s16] =	ssyncadd.s32 $0xFFFFC000  }
0x52: {  	[spmem:s1] =	stream.indirect.scatter.add.f32 [tilespmem:s15], [sflag:$0x4], $0x40, s20, s14, $0xb8;
	[tilespmem:$0x1FE00] =	vst v63  }
0x53: {  	_ =	swait.ge [sflag:s26], $0x4000  }
0x54: {  	[sflag:s26] =	ssyncset.done $0x0  }
0x55: {  	s20 =	sadd.s32 $0x400, s19;
	[sflag:s26] =	ssyncadd.s32 $0xFFFFC000  }
0x56: {  	[tilespmem:s17], [sflag:$0x2] =	stream.indirect.gather [hbm4b:s8+s14], $0x40, s20, s14, $0xb8;
	[tilespmem:$0x1FE00] =	vst v63  }
0x57: {  	_ =	swait.ge [sflag:s18], $0x4000  }
0x58: {  	[sflag:s18] =	ssyncset.done $0x0  }
0x59: {  	s20 =	sadd.s32 $0x5400, s19;
	[sflag:s18] =	ssyncadd.s32 $0xFFFFC000  }
0x5a: {  	[spmem:s1] =	stream.indirect.scatter.add.f32 [tilespmem:s17], [sflag:$0x5], $0x40, s20, s14, $0xb8;
	[tilespmem:$0x1FE00] =	vst v63  }
0x5b: {  	_ =	swait.ge [sflag:s28], $0x4000  }
0x5c: {  	[sflag:s28] =	ssyncset.done $0x0  }
0x5d: {  	s20 =	sadd.s32 $0x500, s19;
	[sflag:s28] =	ssyncadd.s32 $0xFFFFC000  }
0x5e: {  	[tilespmem:s21], [sflag:$0x3] =	stream.indirect.gather [hbm4b:s8+s14], $0x40, s20, s14, $0xb8;
	[tilespmem:$0x1FE00] =	vst v63  }
0x5f: {  	_ =	swait.ge [sflag:s22], $0x4000  }
0x60: {  	[sflag:s22] =	ssyncset.done $0x0  }
.Ltmp0:
0x61: {  	s20 =	sadd.s32 $0x5500, s19;
	[sflag:s22] =	ssyncadd.s32 $0xFFFFC000;
	(pc) =	sbr.rel @p0 .LBB2_2-.Ltmp0, $4  }
0x62: {  	[spmem:s1] =	stream.indirect.scatter.add.f32 [tilespmem:s21], [sflag:$0x6], $0x40, s20, s14, $0xb8;
	[tilespmem:$0x1FE00] =	vst v63  }
0x63: {  	_ =	swait.ge [sflag:s24], $0x4000  }
0x64: {  	[sflag:s24] =	ssyncset.done $0x0  }
0x65: {  	s19 =	sadd.s32 $0x600, s19;
	[sflag:s24] =	ssyncadd.s32 $0xFFFFC000  }
0x66: {  	[tilespmem:s15], [sflag:$0x1] =	stream.indirect.gather [hbm4b:s8+s14], $0x40, s19, s14, $0xb8;
	[tilespmem:$0x1FE00] =	vst v63  }
0x67: {  	_ =	swait.ge [sflag:s16], $0x4000  }
0x68: {  	[sflag:s16] =	ssyncset.done $0x0  }
0x69: {  	[sflag:s16] =	ssyncadd.s32 $0xFFFFC000  }
0x6a: {  	[spmem:s1] =	stream.indirect.scatter.add.f32 [tilespmem:s15], [sflag:$0x4], $0x40, s29, s14, $0xb8;
	[tilespmem:$0x1FE00] =	vst v63  }
0x6b: {  	_ =	swait.ge [sflag:s26], $0x4000  }
0x6c: {  	[sflag:s26] =	ssyncset.done $0x0  }
0x6d: {  	[sflag:s26] =	ssyncadd.s32 $0xFFFFC000  }
0x6e: {  	[tilespmem:s17], [sflag:$0x2] =	stream.indirect.gather [hbm4b:s8+s14], $0x40, s30, s14, $0xb8;
	[tilespmem:$0x1FE00] =	vst v63  }
0x6f: {  	_ =	swait.ge [sflag:s18], $0x4000  }
0x70: {  	[sflag:s18] =	ssyncset.done $0x0  }
0x71: {  	[sflag:s18] =	ssyncadd.s32 $0xFFFFC000  }
0x72: {  	[spmem:s1] =	stream.indirect.scatter.add.f32 [tilespmem:s17], [sflag:$0x5], $0x40, s31, s14, $0xb8;
	[tilespmem:$0x1FE00] =	vst v63  }
0x73: {  	_ =	swait.ge [sflag:s28], $0x4000  }
0x74: {  	[sflag:s28] =	ssyncset.done $0x0  }
0x75: {  	[sflag:s28] =	ssyncadd.s32 $0xFFFFC000  }
0x76: {  	_ =	swait.ge [sflag:s24], $0x4000  }
0x77: {  	[sflag:s24] =	ssyncset.done $0x0  }
0x78: {  	[sflag:s24] =	ssyncadd.s32 $0xFFFFC000  }
0x79: {  	_ =	swait.ge [sflag:s26], $0x4000  }
0x7a: {  	s0 =	sadd.s32 $0x1, s0;
	[sflag:s26] =	ssyncset.done $0x0  }
0x7b: {  	p0 =	sne.s32 s0, s10;
	[sflag:s26] =	ssyncadd.s32 $0xFFFFC000  }
.Ltmp1:
0x7c: {  	[bflag:$0x0] =	sbarrier.arrive $0xFFFF;
	(pc) =	sbr.rel @p0 .LBB2_1-.Ltmp1, $4  }
0x7d: {  	[hbm:s9], [sflag:s5] =	dma.local [spmem:s11], $0x13C0  }
0x7e: {  	_ =	swait.ge [sflag:s12], $0x13C0  }
0x7f: {  	[sflag:s12] =	ssyncset.done $0x0  }
0x80: {  	[sflag:s12] =	ssyncadd.s32 $0xFFFFEC40  }
0x81: {  	_ =	sfence.sel $0x180000  }
0x82: {  	[bflag:$0x0] =	sbarrier.arrive $0xFFFF  }
0x83: {  	_ =	strace $0x9000004D  }
0x84: {  	s0 =	stileid.u32;
	[bflag:$0x2] =	sbarrier.arrive $0xFFFF  }
0x85: {  	p0 =	sne.s32 s0, $0x0;
	s0 =	rddreg [dreg:$0x3]  }
0x86: {  	s0 =	sadd.s32 @!p0 $0x100000, s0  }
0x87: {  	[sflag:s0] =	ssyncadd.tile.s32 @!p0 $0x1;
	_ =	shalt  }
.Lfunc_end2:
_tile_overlayer_lowered:
.L_overlay_start_2:
0x88: {  	(tag) =	ssettag $0x2  }
0x89: {  	s0 =	rddreg [dreg:$0x0];
	s2 =	stileid.u32  }
0x8a: {  	s1 =	rddreg [dreg:$0x1];
	p0 =	sne.s32 s2, $0x0  }
0x8b: {  	s3 =	rddreg [dreg:$0x2];
	[bflag:$0x3] =	sbarrier.arrive $0xFFFF;
	s2 =	simm.s32 @!p0 $0x1C07  }
0x8c: {  	[timem:s3], [sflag:s2] =	dma.local @!p0 [hbm:s0], s1  }
0x8d: {  	s0 =	simm.s32 @!p0 $0x7  }
0x8e: {  	_ =	swait.ge @!p0 [sflag:s0], s1  }
0x8f: {  	s1 =	ssub.s32 @!p0 $0x0, s1;
	[sflag:s0] =	ssyncset.done @!p0 $0x0  }
0x90: {  	[sflag:s0] =	ssyncadd.s32 @!p0 s1  }
0x91: {  	[bflag:$0x3] =	sbarrier.arrive $0xFFFF  }
0x92: {  	_ =	shalt  }

// kernel: kernel.8.cloned.1.call-start
scs
__scs_entry_jumppad:
0x0: {  	(pc) =	sbr.rel $0x88, $3  }
0x1: {  	(tag) =	ssettag $0x0;
	lr =	simm.s32 $0x1  }
0x2: {  	[smem:$0x3F9D] =	sst lr;
	_ =	strace $0xD0000000  }
0x3: {  	_ = 	snop  }
0x4: {  	_ = 	snop  }
0x5: {  	_ = 	snop  }
0x6: {  	_ = 	snop  }
0x7: {  	_ = 	snop  }
__scs_overlays_trampoline_lowered:
0x8: {  	[smem:$0x3FAC] =	sst s0  }
0x9: {  	[smem:$0x3FAD] =	sst s1  }
0xa: {  	[smem:$0x3FAE] =	sst s2  }
0xb: {  	[smem:$0x3FAF] =	sst s3  }
0xc: {  	[smem:$0x3FB0] =	sst s4  }
0xd: {  	[smem:$0x3FB1] =	sst s5  }
0xe: {  	[smem:$0x3FB2] =	sst s6  }
0xf: {  	[smem:$0x3FB3] =	sst s7  }
0x10: {  	[smem:$0x3FB4] =	sst s8  }
0x11: {  	[smem:$0x3FB5] =	sst s9;
	s0 =	simm.s32 @!p0 $0x0  }
0x12: {  	s1 =	sld [smem:$0x3F9B];
	s0 =	simm.s32 @p0 $0x1  }
0x13: {  	[smem:$0x3FB6] =	sst s0;
	s0 =	simm.s32 @!p1 $0x0  }
0x14: {  	s2 =	sld [smem:$0x3F9A];
	s0 =	simm.s32 @p1 $0x1  }
0x15: {  	[smem:$0x3FB7] =	sst s0;
	s0 =	simm.s32 @!p2 $0x0  }
0x16: {  	s3 =	sld [smem:$0x3FDB];
	s0 =	simm.s32 @p2 $0x1  }
0x17: {  	s4 =	simm.s32 $0x1BF5;
	[smem:$0x3FB9] =	sst s0  }
0x18: {  	s0 =	sld [smem:$0x3F9C];
	_ =	swait.ge [sflag:s4], $0x0  }
0x19: {  	s7 =	sld [smem:$0x3F9D]  }
0x1a: {  	s8 =	sadd.s32 $0xFFFFE003, lr  }
0x1b: {  	s9 =	sadd.s32 $0xFFFFFEF7, lr;
	s5 =	simm.s32 $0xFFFFFFFF;
	p2 =	slt.u32 s8, $0xFFFFF086  }
0x1c: {  	p1 =	slt.u32 s9, $0xF7A;
	s5 =	simm.s32 @!p2 $0x0  }
0x1d: {  	s5 =	simm.s32 @p1 $0x1;
	p0 =	seq.s32 s7, s2  }
0x1e: {  	s7 =	smul.u32 @!p0 $0xF7A, s2;
	p2 =	seq.s32 @!p0 s5, $0x0  }
0x1f: {  	s9 =	smul.u32 $0xF7A, s1;
	s8 =	simm.s32 @!p0 $0x1BF5;
	p2 =	por !p2, p0  }
0x20: {  	[sflag:s8] =	ssyncset.s32 @!p0 $0xFFFFF086;
	s6 =	sadd.s32 @!p0 s3, s7;
	s7 =	simm.s32 @!p0 $0x108  }
0x21: {  	s3 =	sadd.s32 s3, s9;
	s6 =	sadd.s32 @!p0 $0x88, s6;
	s7 =	simm.s32 @p2 $0x1082  }
0x22: {  	[simem:s7], [sflag:s8] =	dma.local @!p0 [hbm:s6], $0xF7A  }
0x23: {  	s9 =	sor.u32 $0xD0000000, s2;
	s6 =	simm.s32 $0x108;
	_ =	swait.ge @!p0 [sflag:s8], $0x0  }
0x24: {  	s3 =	sadd.s32 $0x88, s3;
	s6 =	simm.s32 @!p1 $0x1082;
	[sflag:s4] =	ssyncset.s32 $0xFFFFF086  }
0x25: {  	[simem:s6], [sflag:s4] =	dma.local [hbm:s3], $0xF7A  }
0x26: {  	[smem:$0x3F9D] =	sst s1;
	(tag) =	ssettag s2;
	_ =	strace s9  }
0x27: {  	s1 =	sld [smem:$0x3FAD]  }
0x28: {  	s2 =	sld [smem:$0x3FAE]  }
0x29: {  	s4 =	sld [smem:$0x3FB0]  }
0x2a: {  	p0 =	seq.s32 s5, $0x0;
	s5 =	sld [smem:$0x3FB1]  }
0x2b: {  	s6 =	sld [smem:$0x3FB2]  }
0x2c: {  	s7 =	sld [smem:$0x3FB3]  }
0x2d: {  	s3 =	simm.s32 $0x108;
	s8 =	sld [smem:$0x3FB4]  }
0x2e: {  	s3 =	simm.s32 @!p0 $0x1082;
	s9 =	sld [smem:$0x3FB5]  }
0x2f: {  	lr =	sadd.s32 s0, s3;
	s0 =	sld [smem:$0x3FAC]  }
0x30: {  	s3 =	sld [smem:$0x3FAF]  }
0x31: {  	[smem:$0x3FB8] =	sst s10  }
0x32: {  	s10 =	sld [smem:$0x3FB6];
	_ =	sdelay $0x3  }
0x33: {  	p0 =	seq.s32 s10, $0x1;
	s10 =	sld [smem:$0x3FB8];
	_ =	sdelay $0x3  }
0x34: {  	[smem:$0x3FB8] =	sst s10  }
0x35: {  	s10 =	sld [smem:$0x3FB7];
	_ =	sdelay $0x3  }
0x36: {  	p1 =	seq.s32 s10, $0x1;
	s10 =	sld [smem:$0x3FB8];
	_ =	sdelay $0x3  }
0x37: {  	[smem:$0x3FB8] =	sst s10  }
0x38: {  	s10 =	sld [smem:$0x3FB9]  }
0x39: {  	_ = 	snop;
	(pc) =	sbr.ind lr, $3  }
0x3a: {  	_ = 	snop  }
0x3b: {  	_ = 	snop  }
0x3c: {  	p2 =	seq.s32 s10, $0x1;
	s10 =	sld [smem:$0x3FB8]  }
0x3d: {  	_ =	shalt  }
0x3e: {  	_ =	shalt  }
0x3f: {  	_ =	shalt  }
0x40: {  	_ =	shalt  }
0x41: {  	_ =	shalt  }
0x42: {  	_ =	shalt  }
0x43: {  	_ =	shalt  }
0x44: {  	_ =	shalt  }
0x45: {  	_ =	shalt  }
0x46: {  	_ =	shalt  }
0x47: {  	_ =	shalt  }
0x48: {  	_ =	shalt  }
0x49: {  	_ =	shalt  }
0x4a: {  	_ =	shalt  }
0x4b: {  	_ =	shalt  }
0x4c: {  	_ =	shalt  }
0x4d: {  	_ =	shalt  }
0x4e: {  	_ =	shalt  }
0x4f: {  	_ =	shalt  }
0x50: {  	_ =	shalt  }
0x51: {  	_ =	shalt  }
0x52: {  	_ =	shalt  }
0x53: {  	_ =	shalt  }
0x54: {  	_ =	shalt  }
0x55: {  	_ =	shalt  }
0x56: {  	_ =	shalt  }
0x57: {  	_ =	shalt  }
0x58: {  	_ =	shalt  }
0x59: {  	_ =	shalt  }
0x5a: {  	_ =	shalt  }
0x5b: {  	_ =	shalt  }
0x5c: {  	_ =	shalt  }
0x5d: {  	_ =	shalt  }
0x5e: {  	_ =	shalt  }
0x5f: {  	_ =	shalt  }
0x60: {  	_ =	shalt  }
0x61: {  	_ =	shalt  }
0x62: {  	_ =	shalt  }
0x63: {  	_ =	shalt  }
0x64: {  	_ =	shalt  }
0x65: {  	_ =	shalt  }
0x66: {  	_ =	shalt  }
0x67: {  	_ =	shalt  }
0x68: {  	_ =	shalt  }
0x69: {  	_ =	shalt  }
0x6a: {  	_ =	shalt  }
0x6b: {  	_ =	shalt  }
0x6c: {  	_ =	shalt  }
0x6d: {  	_ =	shalt  }
0x6e: {  	_ =	shalt  }
0x6f: {  	_ =	shalt  }
0x70: {  	_ =	shalt  }
0x71: {  	_ =	shalt  }
0x72: {  	_ =	shalt  }
0x73: {  	_ =	shalt  }
0x74: {  	_ =	shalt  }
0x75: {  	_ =	shalt  }
0x76: {  	_ =	shalt  }
0x77: {  	_ =	shalt  }
0x78: {  	_ =	shalt  }
0x79: {  	_ =	shalt  }
0x7a: {  	_ =	shalt  }
0x7b: {  	_ =	shalt  }
0x7c: {  	_ =	shalt  }
0x7d: {  	_ =	shalt  }
0x7e: {  	_ =	shalt  }
0x7f: {  	_ =	shalt  }
0x80: {  	_ =	shalt  }
0x81: {  	_ =	shalt  }
0x82: {  	_ =	shalt  }
0x83: {  	_ =	shalt  }
0x84: {  	_ =	shalt  }
0x85: {  	_ =	shalt  }
0x86: {  	_ =	shalt  }
0x87: {  	_ =	shalt  }
.Lfunc_end0:
.L_simem_size_0:
called_computation_lowered:
.L_overlay_start_0:
0x88: {  	s2 =	sld [smem:$0x3FD9]  }
0x89: {  	s3 =	sld [smem:$0x3FFE];
	_ =	sdelay $0x1  }
0x8a: {  	s1 =	srdreg.scid  }
0x8b: {  	s0 =	sand.u32 $0x1, s1  }
0x8c: {  	s17 =	sshll.u32 s0, $0xA;
	s2 =	sadd.s32 s3, s2  }
0x8d: {  	s2 =	sadd.s32 s2, s17  }
0x8e: {  	[smem:$0x3FC4] =	sst s2  }
0x8f: {  	_ = 	snop  }
0x90: {  	s2 =	sld [smem:$0x3FD0];
	(tm) =	ssettm $0x1  }
0x91: {  	s18 =	sld [smem:$0x3FFB];
	_ =	sdelay $0x3  }
0x92: {  	_ =	strace s18  }
0x93: {  	s3 =	sld [smem:$0x3FFC];
	_ =	sdelay $0x3  }
0x94: {  	_ =	strace s3  }
0x95: {  	s3 =	sld [smem:$0x3FFD];
	_ =	sdelay $0x3  }
0x96: {  	_ =	strace s3  }
0x97: {  	_ =	strace $0x8FFFFFFF  }
0x98: {  	s19 =	sld [smem:$0x3FDB];
	_ =	sdelay $0x1  }
0x99: {  	s4 =	simm.s32 $_scs_section_size  }
0x9a: {  	s5 =	simm.s32 $_size__tile_overlayer_lowered;
	s6 =	simm.s32 $_tile_overlayer_lowered  }
0x9b: {  	s22 =	simm.s32 $0x1BFF;
	s21 =	sshll.u32 s6, $0x1;
	s3 =	sadd.s32 s4, s19  }
0x9c: {  	s7 =	simm.s32 $0x0;
	s20 =	sshll.u32 s5, $0x1;
	s5 =	sadd.s32 s21, s3  }
0x9d: {  	[timem:s7], [sflag:s22] =	dma.local [hbm:s5], s20  }
0x9e: {  	_ =	swait.ge [sflag:s22], s20  }
0x9f: {  	s4 =	ssub.s32 $0x0, s20;
	[sflag:s22] =	ssyncset.done $0x0  }
0xa0: {  	[sflag:s22] =	ssyncadd.s32 s4;
	_ =	sdelay $0x1  }
0xa1: {  	s23 =	simm.s32 $0x1B8B  }
0xa2: {  	_ =	swait.ge [sflag:s23], $0x1  }
0xa3: {  	[sflag:s23] =	ssyncset.done $0x0  }
0xa4: {  	s25 =	simm.s32 $0x1B8E;
	s24 =	sld [smem:$0x3FFE];
	[sflag:s23] =	ssyncadd.s32 $0xFFFFFFFF  }
0xa5: {  	s26 =	simm.s32 $execute0_lowered;
	[smem:$0x3FD2] =	sst s25  }
0xa6: {  	s5 =	sshll.u32 s26, $0x1;
	_ =	strace $0x80000046;
	[dreg:$0x1] =	wrdreg $0xFFFFFFFF  }
0xa7: {  	s28 =	simm.s32 $_size_execute0_lowered;
	s3 =	sadd.s32 s3, s5;
	[dreg:$0x0] =	wrdreg $0x0  }
0xa8: {  	s5 =	sshll.u32 s28, $0x1;
	[dreg:$0x2] =	wrdreg s3  }
0xa9: {  	[dreg:$0x3] =	wrdreg s5  }
0xaa: {  	[dreg:$0x4] =	wrdreg $0xC0  }
0xab: {  	_ =	task [dreg:s7], $0x5FFFF  }
0xac: {  	[dreg:$0x1] =	wrdreg $0xFFFFFFFF  }
0xad: {  	[dreg:$0x0] =	wrdreg $0x60  }
0xae: {  	[dreg:$0x2] =	wrdreg s24  }
0xaf: {  	[dreg:$0x3] =	wrdreg s2  }
0xb0: {  	[dreg:$0x4] =	wrdreg $0x30000  }
0xb1: {  	[dreg:$0x5] =	wrdreg $0x9  }
0xb2: {  	_ =	task.clear_ibuf [dreg:s7], $0x6FFFF;
	_ =	strace $0x90000046  }
0xb3: {  	s29 =	simm.s32 $0x9;
	_ =	strace $0x80000048  }
0xb4: {  	_ =	swait.ge [sflag:s29], $0x1  }
0xb5: {  	[sflag:s29] =	ssyncadd.s32 $0xFFFFFFFF  }
0xb6: {  	_ =	strace $0x90000048  }
0xb7: {  	_ =	sfence  }
0xb8: {  	s30 =	sld [smem:$0x0];
	_ =	sdelay $0x2  }
0xb9: {  	s31 =	sshll.u32 s1, $0xD;
	s1 =	sshrl.u32 s1, $0x2  }
0xba: {  	s3 =	sand.u32 $0x4000, s31;
	s1 =	sadd.s32 s1, s30  }
0xbb: {  	s0 =	sor.u32 s3, s0;
	s1 =	sshll.u32 s1, $0x11  }
0xbc: {  	s0 =	sor.u32 s1, s0  }
0xbd: {  	s0 =	sadd.s32 $0x8F2B, s0  }
0xbe: {  	[sflag:s0] =	ssyncadd.remote.s32 $0x1  }
0xbf: {  	_ =	sfence.sel $0xFFFF  }
0xc0: {  	[dreg:$0x0] =	wrdreg $0xFFFFFFFF;
	(pc) =	sbr.abs _section_cstart, $3  }
0xc1: {  	[dreg:$0x1] =	wrdreg $0xFFFFFFFF  }
0xc2: {  	_ =	task.clear_ibuf [dreg:s7], $0x2FFFF;
	_ =	strace $0x9FFFFFFF  }
0xc3: {  	(tm) =	ssettm $0x7FFFFFFF  }
tec
execute0_lowered:
.L_overlay_start_1:
0x0: {  	(tag) =	ssettag $0x1  }
0x1: {  	s4 =	rddreg [dreg:$0x0]  }
0x2: {  	s1 =	srdreg.scid;
	s8 =	rddreg [dreg:$0x1]  }
0x3: {  	s0 =	stileid.u32;
	s2 =	rddreg [dreg:$0x2];
	s3 =	simm.s32 $0x0  }
0x4: {  	s13 =	simm.s32 $0x80;
	s5 =	sand.u32 $0x1, s1;
	s1 =	rddreg [dreg:$0x3]  }
0x5: {  	s14 =	simm.s32 $0x0;
	s28 =	sshll.u32 s0, $0x1;
	[smem:$0x7FF] =	sst s3  }
0x6: {  	s7 =	smul.u32 $0x2780, s0;
	s31 =	sshll.u32 s0, $0x6;
	s6 =	sor.u32 s5, s28  }
0x7: {  	_ =	strace $0x80000047;
	s10 =	ssub.s32 $0x2, s5;
	s5 =	smul.u32 $0x27800, s5  }
0x8: {  	s6 =	smul.u32 $0x500, s6;
	s29 =	sshrl.u32 s7, $0x3;
	s11 =	sshrl.u32 s10, $0x1  }
0x9: {  	s30 =	sadd.s32 s7, s2;
	s10 =	ssub.s32 s10, s11;
	s7 =	sadd.s32 s7, s5  }
0xa: {  	s11 =	simm.s32 $0x1;
	s9 =	sadd.s32 s6, s4;
	s6 =	sadd.s32 s29, s4  }
0xb: {  	s4 =	sadd.s32 $0xBE00, s4;
	s12 =	sshrl.u32 s7, $0x3;
	s5 =	sadd.s32 $0xC000, s6  }
0xc: {  	s6 =	sor.u32 $0x1C01, s31;
	s7 =	sadd.s32 $0x1E00, s9;
	s8 =	sadd.s32 s8, s12  }
0xd: {  	s9 =	smax.u32 s10, $0x1;
	s10 =	sshrl.u32 s30, $0x3;
	s12 =	simm.s32 $0x2800  }
.LBB2_1:
0xe: {  	[spmem:s10], [sflag:s6] =	dma.local [hbm:s5], $0x4F0  }
0xf: {  	_ =	swait.ge [sflag:s11], $0x4F0  }
0x10: {  	[sflag:s11] =	ssyncset.done $0x0  }
0x11: {  	[sflag:s11] =	ssyncadd.s32 $0xFFFFFB10  }
0x12: {  	[tilespmem:s12], [sflag:$0x1] =	stream.linear.gather [hbm4b:s4+s3], $0x800, $0x38;
	[tilespmem:$0x5780] =	vst v63  }
0x13: {  	_ =	swait.ge [sflag:s11], $0x800  }
0x14: {  	[sflag:s11] =	ssyncset.done $0x0  }
0x15: {  	[sflag:s11] =	ssyncadd.s32 $0xFFFFF800  }
0x16: {  	[tilespmem:s3], [sflag:$0x1] =	stream.linear.gather [hbm4b:s7+s3], $0x2800, $0x38;
	[tilespmem:$0x5780] =	vst v63  }
0x17: {  	_ =	swait.ge [sflag:s11], $0x2800  }
0x18: {  	[sflag:s11] =	ssyncset.done $0x0  }
0x19: {  	[sflag:s11] =	ssyncadd.s32 $0xFFFFD800  }
0x1a: {  	s15 =	simm.s32 $0x0;
	[bflag:$0x0] =	sbarrier.arrive $0xFFFF  }
0x1b: {  	[spmem:s2] =	stream.indirect.scatter.add.f32 [tilespmem:s12], [sflag:$0x1], $0x10, s15, s13, $0xb8;
	[tilespmem:$0x5780] =	vst v63  }
0x1c: {  	_ =	swait.ge [sflag:s11], $0x800  }
0x1d: {  	s15 =	simm.s32 $0x200;
	[sflag:s11] =	ssyncset.done $0x0  }
.LBB2_2:
0x1e: {  	s16 =	sshra.s32 s15, $0x2;
	[sflag:s11] =	ssyncadd.s32 $0xFFFFF800;
	p0 =	sne.s32 s15, $0x9E00  }
0x1f: {  	[spmem:s2] =	stream.indirect.scatter.add.f32 [tilespmem:s12], [sflag:$0x1], $0x10, s16, s13, $0xb8;
	[tilespmem:$0x5780] =	vst v63  }
.Ltmp0:
0x20: {  	_ = 	snop;
	(pc) =	sbr.rel @p0 .LBB2_2-.Ltmp0, $4  }
0x21: {  	_ = 	snop  }
0x22: {  	s15 =	sadd.s32 $0x200, s15  }
0x23: {  	_ =	swait.ge [sflag:s11], $0x800  }
0x24: {  	[sflag:s11] =	ssyncset.done $0x0  }
0x25: {  	s14 =	sadd.s32 $0x1, s14  }
0x26: {  	[sflag:s11] =	ssyncadd.s32 $0xFFFFF800;
	p0 =	sne.s32 s14, s9  }
.Ltmp1:
0x27: {  	[bflag:$0x0] =	sbarrier.arrive $0xFFFF;
	(pc) =	sbr.rel @p0 .LBB2_1-.Ltmp1, $4  }
0x28: {  	[hbm:s8], [sflag:s6] =	dma.local [spmem:s10], $0x4F0  }
0x29: {  	_ =	swait.ge [sflag:s11], $0x4F0  }
0x2a: {  	[sflag:s11] =	ssyncset.done $0x0  }
0x2b: {  	[sflag:s11] =	ssyncadd.s32 $0xFFFFFB10  }
0x2c: {  	_ =	sfence.sel $0x180000  }
0x2d: {  	[bflag:$0x0] =	sbarrier.arrive $0xFFFF  }
0x2e: {  	p0 =	sne.s32 s0, $0x0;
	_ =	strace $0x90000047  }
0x2f: {  	s0 =	sadd.s32 @!p0 $0x100000, s1;
	[bflag:$0x2] =	sbarrier.arrive $0xFFFF  }
0x30: {  	[sflag:s0] =	ssyncadd.tile.s32 @!p0 $0x1;
	_ =	shalt  }
.Lfunc_end2:
_tile_overlayer_lowered:
.L_overlay_start_2:
0x31: {  	(tag) =	ssettag $0x2  }
0x32: {  	s0 =	rddreg [dreg:$0x0];
	s2 =	stileid.u32  }
0x33: {  	s1 =	rddreg [dreg:$0x1];
	p0 =	sne.s32 s2, $0x0  }
0x34: {  	s3 =	rddreg [dreg:$0x2];
	[bflag:$0x3] =	sbarrier.arrive $0xFFFF;
	s2 =	simm.s32 @!p0 $0x1C01  }
0x35: {  	[timem:s3], [sflag:s2] =	dma.local @!p0 [hbm:s0], s1  }
0x36: {  	s0 =	simm.s32 @!p0 $0x1  }
0x37: {  	_ =	swait.ge @!p0 [sflag:s0], s1  }
0x38: {  	s1 =	ssub.s32 @!p0 $0x0, s1;
	[sflag:s0] =	ssyncset.done @!p0 $0x0  }
0x39: {  	[sflag:s0] =	ssyncadd.s32 @!p0 s1  }
0x3a: {  	[bflag:$0x3] =	sbarrier.arrive $0xFFFF  }
0x3b: {  	_ =	shalt  }

</sc_bundles>
